<compile_context>
chip_gen: v7x
topology: tpu7x:2x2x1
jax: 0.10.2.dev20260603
libtpu: 0.0.44.dev20260713+nightly
codegen_flags: <defaults>
</compile_context>

<pallas_src>
import functools

import jax
import jax.numpy as jnp
from jax import lax
from jax.experimental import pallas as pl
import jax.experimental.pallas.tpu as pltpu
from jax.experimental.pallas import tpu_sc as plsc

B, H, T = 16, 128, 16000
NBITS = 16
NE = 2 * NBITS


def _make_aux_sc():
    mesh = plsc.VectorSubcoreMesh(core_axis_name="c", subcore_axis_name="s")
    info = plsc.get_sparse_core_info()
    nc = info.num_cores

    @functools.partial(
        pl.kernel,
        mesh=mesh,
        out_type=jax.ShapeDtypeStruct((B, H), jnp.float32),
        scratch_types=[
            pltpu.VMEM((NBITS,), jnp.int32),
            pltpu.VMEM((NBITS, H), jnp.float32),
            pltpu.VMEM((H,), jnp.float32),
            pltpu.SemaphoreType.DMA,
        ],
    )
    def aux_sc(msg_hbm, emb_hbm, out_hbm, idx_v, rows_v, acc_v, sem):
        wid = lax.axis_index("s") * nc + lax.axis_index("c")

        @pl.when(wid < B)
        def _():
            pltpu.sync_copy(msg_hbm.at[wid], idx_v)
            idx_v[...] = 2 * lax.iota(jnp.int32, NBITS) + idx_v[...]
            pltpu.async_copy(emb_hbm.at[idx_v], rows_v, sem).wait()
            for k in range(H // 16):
                sl = pl.ds(k * 16, 16)
                acc = rows_v[0, sl]
                for j in range(1, NBITS):
                    acc = acc + rows_v[j, sl]
                acc_v[sl] = acc
            pltpu.sync_copy(acc_v, out_hbm.at[wid])

    return aux_sc


_aux_sc = _make_aux_sc()


def _add_kernel(aux_ref, hid_ref, out_ref):
    b = pl.program_id(0)
    out_ref[...] = hid_ref[...] + aux_ref[b, :][:, None]


def kernel(hidden, msg, emb):
    msg = msg.astype(jnp.int32)
    aux = _aux_sc(msg, emb)
    return pl.pallas_call(
        _add_kernel,
        grid=(B,),
        in_specs=[
            pl.BlockSpec((B, H), lambda b: (0, 0)),
            pl.BlockSpec((None, H, T), lambda b: (b, 0, 0)),
        ],
        out_specs=pl.BlockSpec((None, H, T), lambda b: (b, 0, 0)),
        out_shape=jax.ShapeDtypeStruct((B, H, T), jnp.float32),
        compiler_params=pltpu.CompilerParams(
            dimension_semantics=("arbitrary",),
        ),
    )(aux, hidden)

# --- scband reference (transcript-rebuilt; emitter-appended) ---
"""Pipeline reference for scband-msg-processor-52467320488507 (READ-ONLY COPY).

The authoritative reference and input builder live on the scoring server;
editing this copy changes nothing except your own understanding.
"""

import jax, jax.numpy as jnp
import numpy as np


def setup_inputs(seed: int = 0) -> dict:
    key = jax.random.key(seed)
    k1, k2, k3 = jax.random.split(key, 3)
    B, H, T = 16, 128, 16000
    nbits = 16
    hidden = jax.random.normal(k1, (B, H, T), dtype=jnp.float32)
    msg = jax.random.randint(k2, (B, nbits), 0, 2, dtype=jnp.int64)
    # learned parameter: nn.Embedding(2*nbits, hidden_size).weight
    emb = jax.random.normal(k3, (2 * nbits, H), dtype=jnp.float32) * 0.02
    return {"hidden": hidden, "msg": msg, "emb": emb}


def reference(hidden, msg, emb):
    # indices = 2*arange(nbits) repeated over batch + msg
    nbits = msg.shape[-1]
    base = 2 * jnp.arange(nbits, dtype=msg.dtype)  # [nbits]
    indices = base[None, :] + msg  # [B, nbits]
    # embedding lookup (gather) then sum over message-bit axis
    msg_aux = jnp.take(emb, indices, axis=0).sum(axis=1)  # [B, H]
    # unsqueeze(-1).expand_as(hidden) == broadcast over time axis
    return hidden + msg_aux[:, :, None]

if __name__ == "__main__":
    import jax
    _d = setup_inputs()
    print(jax.jit(kernel)(*tuple(_d.values())))

</pallas_src>

<mosaic_0001>
#map = affine_map<(d0, d1) -> (0, 0)>
module attributes {stable_mosaic.version = 14 : i64} {
  func.func @aux_sc(%arg0: i32, %arg1: i32, %arg2: memref<16x16xi32, #tpu.memory_space<hbm>>, %arg3: memref<32x128xf32, #tpu.memory_space<hbm>>, %arg4: memref<16x128xf32, #tpu.memory_space<hbm>>, %arg5: memref<16xi32, #tpu.memory_space<vmem>>, %arg6: memref<16x128xf32, #tpu.memory_space<vmem>>, %arg7: memref<128xf32, #tpu.memory_space<vmem>>, %arg8: memref<!tpu.dma_semaphore, #tpu.memory_space<semaphore_mem>>) attributes {dimension_semantics = [#tpu.dimension_semantics<core_parallel>, #tpu.dimension_semantics<subcore_parallel>], iteration_bounds = array<i64: 2, 16>, scalar_prefetch = 0 : i64, scratch_operands = 4 : i64, tpu.core_type = #tpu.core_type<sc_vector_subcore>, window_params = [{transform_indices = #map}, {transform_indices = #map}, {transform_indices = #map}]} {
    %mul3A = arith.constant 2 : i32
    %mul3A_0 = arith.muli %arg1, %mul3A : i32
    %add3A = arith.addi %mul3A_0, %arg0 : i32
    %lt3A = arith.constant 16 : i32
    %lt3A_1 = arith.cmpi slt, %add3A, %lt3A : i32
    %convert_element_type3A = arith.extui %lt3A_1 : i1 to i32
    %cond3A = arith.constant 0 : i32
    %cond3A_2 = arith.cmpi ne, %convert_element_type3A, %cond3A : i32
    scf.if %cond3A_2 {
      "tpu.region"() ({
        %run_scoped3A = tpu.sem_alloc : memref<!tpu.dma_semaphore, #tpu.memory_space<semaphore_mem>>
        %dma_start3A_808 = arith.constant 0 : i32
        %dma_start3A_809 = tpu.memref_slice %arg2[%add3A, %dma_start3A_808] : memref<16x16xi32, #tpu.memory_space<hbm>> -> memref<1x16xi32, #tpu.memory_space<hbm>>
        %dma_start3A_810 = tpu.memref_squeeze %dma_start3A_809 : memref<1x16xi32, #tpu.memory_space<hbm>> -> memref<16xi32, #tpu.memory_space<hbm>>
        %dma_start3A_811 = arith.constant 0 : i32
        %dma_start3A_812 = tpu.memref_slice %arg2[%add3A, %dma_start3A_811] : memref<16x16xi32, #tpu.memory_space<hbm>> -> memref<1x16xi32, #tpu.memory_space<hbm>>
        %dma_start3A_813 = tpu.memref_squeeze %dma_start3A_812 : memref<1x16xi32, #tpu.memory_space<hbm>> -> memref<16xi32, #tpu.memory_space<hbm>>
        tpu.enqueue_dma source(%dma_start3A_813 : memref<16xi32, #tpu.memory_space<hbm>>) target(%arg5 : memref<16xi32, #tpu.memory_space<vmem>>) target_semaphore(%run_scoped3A : memref<!tpu.dma_semaphore, #tpu.memory_space<semaphore_mem>>)
        %dma_wait3A_814 = arith.constant 0 : i32
        %dma_wait3A_815 = tpu.memref_slice %arg2[%add3A, %dma_wait3A_814] : memref<16x16xi32, #tpu.memory_space<hbm>> -> memref<1x16xi32, #tpu.memory_space<hbm>>
        %dma_wait3A_816 = tpu.memref_squeeze %dma_wait3A_815 : memref<1x16xi32, #tpu.memory_space<hbm>> -> memref<16xi32, #tpu.memory_space<hbm>>
        %dma_wait3A_817 = arith.constant 0 : i32
        %dma_wait3A_818 = tpu.memref_slice %arg2[%add3A, %dma_wait3A_817] : memref<16x16xi32, #tpu.memory_space<hbm>> -> memref<1x16xi32, #tpu.memory_space<hbm>>
        %dma_wait3A_819 = tpu.memref_squeeze %dma_wait3A_818 : memref<1x16xi32, #tpu.memory_space<hbm>> -> memref<16xi32, #tpu.memory_space<hbm>>
        tpu.wait_dma2 semaphore(%run_scoped3A : memref<!tpu.dma_semaphore, #tpu.memory_space<semaphore_mem>>) src(%dma_wait3A_819 : memref<16xi32, #tpu.memory_space<hbm>>) dst(%arg5 : memref<16xi32, #tpu.memory_space<vmem>>)
        tpu.yield
      }) : () -> ()
      %iota3A = tpu.iota {dimensions = array<i32: 0>} : vector<16xi32>
      %mul3A_3 = arith.constant 2 : i32
      %mul3A_4 = vector.broadcast %mul3A_3 : i32 to vector<16xi32>
      %mul3A_5 = arith.muli %mul3A_4, %iota3A : vector<16xi32>
      %get3A = arith.constant 0 : index
      %get3A_6 = tpu.vector_load %arg5[%get3A] {strides = array<i32>} : memref<16xi32, #tpu.memory_space<vmem>>, vector<16xi32>,
      %get3A_7 = vector.shape_cast %get3A_6 : vector<16xi32> to vector<16xi32>
      %add3A_8 = arith.addi %mul3A_5, %get3A_7 : vector<16xi32>
      %swap3A = arith.constant 0 : index
      %swap3A_9 = tpu.vector_load %arg5[%swap3A] {strides = array<i32>} : memref<16xi32, #tpu.memory_space<vmem>>, vector<16xi32>,
      %swap3A_10 = vector.shape_cast %swap3A_9 : vector<16xi32> to vector<16xi32>
      %swap3A_11 = vector.shape_cast %add3A_8 : vector<16xi32> to vector<16xi32>
      tpu.vector_store %arg5[%swap3A], %swap3A_11 {strides = array<i32>} : memref<16xi32, #tpu.memory_space<vmem>>, vector<16xi32>,
      %dma_start3A = arith.constant 0 : i32
      %dma_start3A_12 = arith.constant 0 : i32
      %dma_start3A_13 = tpu.memref_slice %arg3[%dma_start3A, %dma_start3A_12] : memref<32x128xf32, #tpu.memory_space<hbm>> -> memref<32x128xf32, #tpu.memory_space<hbm>>
      tpu.enqueue_indirect_dma source(%dma_start3A_13 : memref<32x128xf32, #tpu.memory_space<hbm>>) target(%arg6 : memref<16x128xf32, #tpu.memory_space<vmem>>) offsets(%arg5 : memref<16xi32, #tpu.memory_space<vmem>>) semaphore(%arg8 : memref<!tpu.dma_semaphore, #tpu.memory_space<semaphore_mem>>)
      %dma_wait3A = arith.constant 0 : i32
      %dma_wait3A_14 = arith.constant 0 : i32
      %dma_wait3A_15 = tpu.memref_slice %arg3[%dma_wait3A, %dma_wait3A_14] : memref<32x128xf32, #tpu.memory_space<hbm>> -> memref<32x128xf32, #tpu.memory_space<hbm>>
      tpu.wait_indirect_dma semaphore(%arg8 : memref<!tpu.dma_semaphore, #tpu.memory_space<semaphore_mem>>) src(%dma_wait3A_15 : memref<32x128xf32, #tpu.memory_space<hbm>>) dst(%arg6 : memref<16x128xf32, #tpu.memory_space<vmem>>)
      %get3A_16 = arith.constant 0 : i32
      %get3A_17 = arith.index_cast %get3A_16 : i32 to index
      %get3A_18 = arith.constant 0 : index
      %get3A_19 = tpu.vector_load %arg6[%get3A_17, %get3A_18] {strides = array<i32>} : memref<16x128xf32, #tpu.memory_space<vmem>>, vector<1x16xf32>,
      %get3A_20 = vector.shape_cast %get3A_19 : vector<1x16xf32> to vector<16xf32>
      %get3A_21 = arith.constant 1 : i32
      %get3A_22 = arith.index_cast %get3A_21 : i32 to index
      %get3A_23 = arith.constant 0 : index
      %get3A_24 = tpu.vector_load %arg6[%get3A_22, %get3A_23] {strides = array<i32>} : memref<16x128xf32, #tpu.memory_space<vmem>>, vector<1x16xf32>,
      %get3A_25 = vector.shape_cast %get3A_24 : vector<1x16xf32> to vector<16xf32>
      %add3A_26 = arith.addf %get3A_20, %get3A_25 : vector<16xf32>
      %get3A_27 = arith.constant 2 : i32
      %get3A_28 = arith.index_cast %get3A_27 : i32 to index
      %get3A_29 = arith.constant 0 : index
      %get3A_30 = tpu.vector_load %arg6[%get3A_28, %get3A_29] {strides = array<i32>} : memref<16x128xf32, #tpu.memory_space<vmem>>, vector<1x16xf32>,
      %get3A_31 = vector.shape_cast %get3A_30 : vector<1x16xf32> to vector<16xf32>
      %add3A_32 = arith.addf %add3A_26, %get3A_31 : vector<16xf32>
      %get3A_33 = arith.constant 3 : i32
      %get3A_34 = arith.index_cast %get3A_33 : i32 to index
      %get3A_35 = arith.constant 0 : index
      %get3A_36 = tpu.vector_load %arg6[%get3A_34, %get3A_35] {strides = array<i32>} : memref<16x128xf32, #tpu.memory_space<vmem>>, vector<1x16xf32>,
      %get3A_37 = vector.shape_cast %get3A_36 : vector<1x16xf32> to vector<16xf32>
      %add3A_38 = arith.addf %add3A_32, %get3A_37 : vector<16xf32>
      %get3A_39 = arith.constant 4 : i32
      %get3A_40 = arith.index_cast %get3A_39 : i32 to index
      %get3A_41 = arith.constant 0 : index
      %get3A_42 = tpu.vector_load %arg6[%get3A_40, %get3A_41] {strides = array<i32>} : memref<16x128xf32, #tpu.memory_space<vmem>>, vector<1x16xf32>,
      %get3A_43 = vector.shape_cast %get3A_42 : vector<1x16xf32> to vector<16xf32>
      %add3A_44 = arith.addf %add3A_38, %get3A_43 : vector<16xf32>
      %get3A_45 = arith.constant 5 : i32
      %get3A_46 = arith.index_cast %get3A_45 : i32 to index
      %get3A_47 = arith.constant 0 : index
      %get3A_48 = tpu.vector_load %arg6[%get3A_46, %get3A_47] {strides = array<i32>} : memref<16x128xf32, #tpu.memory_space<vmem>>, vector<1x16xf32>,
      %get3A_49 = vector.shape_cast %get3A_48 : vector<1x16xf32> to vector<16xf32>
      %add3A_50 = arith.addf %add3A_44, %get3A_49 : vector<16xf32>
      %get3A_51 = arith.constant 6 : i32
      %get3A_52 = arith.index_cast %get3A_51 : i32 to index
      %get3A_53 = arith.constant 0 : index
      %get3A_54 = tpu.vector_load %arg6[%get3A_52, %get3A_53] {strides = array<i32>} : memref<16x128xf32, #tpu.memory_space<vmem>>, vector<1x16xf32>,
      %get3A_55 = vector.shape_cast %get3A_54 : vector<1x16xf32> to vector<16xf32>
      %add3A_56 = arith.addf %add3A_50, %get3A_55 : vector<16xf32>
      %get3A_57 = arith.constant 7 : i32
      %get3A_58 = arith.index_cast %get3A_57 : i32 to index
      %get3A_59 = arith.constant 0 : index
      %get3A_60 = tpu.vector_load %arg6[%get3A_58, %get3A_59] {strides = array<i32>} : memref<16x128xf32, #tpu.memory_space<vmem>>, vector<1x16xf32>,
      %get3A_61 = vector.shape_cast %get3A_60 : vector<1x16xf32> to vector<16xf32>
      %add3A_62 = arith.addf %add3A_56, %get3A_61 : vector<16xf32>
      %get3A_63 = arith.constant 8 : i32
      %get3A_64 = arith.index_cast %get3A_63 : i32 to index
      %get3A_65 = arith.constant 0 : index
      %get3A_66 = tpu.vector_load %arg6[%get3A_64, %get3A_65] {strides = array<i32>} : memref<16x128xf32, #tpu.memory_space<vmem>>, vector<1x16xf32>,
      %get3A_67 = vector.shape_cast %get3A_66 : vector<1x16xf32> to vector<16xf32>
      %add3A_68 = arith.addf %add3A_62, %get3A_67 : vector<16xf32>
      %get3A_69 = arith.constant 9 : i32
      %get3A_70 = arith.index_cast %get3A_69 : i32 to index
      %get3A_71 = arith.constant 0 : index
      %get3A_72 = tpu.vector_load %arg6[%get3A_70, %get3A_71] {strides = array<i32>} : memref<16x128xf32, #tpu.memory_space<vmem>>, vector<1x16xf32>,
      %get3A_73 = vector.shape_cast %get3A_72 : vector<1x16xf32> to vector<16xf32>
      %add3A_74 = arith.addf %add3A_68, %get3A_73 : vector<16xf32>
      %get3A_75 = arith.constant 10 : i32
      %get3A_76 = arith.index_cast %get3A_75 : i32 to index
      %get3A_77 = arith.constant 0 : index
      %get3A_78 = tpu.vector_load %arg6[%get3A_76, %get3A_77] {strides = array<i32>} : memref<16x128xf32, #tpu.memory_space<vmem>>, vector<1x16xf32>,
      %get3A_79 = vector.shape_cast %get3A_78 : vector<1x16xf32> to vector<16xf32>
      %add3A_80 = arith.addf %add3A_74, %get3A_79 : vector<16xf32>
      %get3A_81 = arith.constant 11 : i32
      %get3A_82 = arith.index_cast %get3A_81 : i32 to index
      %get3A_83 = arith.constant 0 : index
      %get3A_84 = tpu.vector_load %arg6[%get3A_82, %get3A_83] {strides = array<i32>} : memref<16x128xf32, #tpu.memory_space<vmem>>, vector<1x16xf32>,
      %get3A_85 = vector.shape_cast %get3A_84 : vector<1x16xf32> to vector<16xf32>
      %add3A_86 = arith.addf %add3A_80, %get3A_85 : vector<16xf32>
      %get3A_87 = arith.constant 12 : i32
      %get3A_88 = arith.index_cast %get3A_87 : i32 to index
      %get3A_89 = arith.constant 0 : index
      %get3A_90 = tpu.vector_load %arg6[%get3A_88, %get3A_89] {strides = array<i32>} : memref<16x128xf32, #tpu.memory_space<vmem>>, vector<1x16xf32>,
      %get3A_91 = vector.shape_cast %get3A_90 : vector<1x16xf32> to vector<16xf32>
      %add3A_92 = arith.addf %add3A_86, %get3A_91 : vector<16xf32>
      %get3A_93 = arith.constant 13 : i32
      %get3A_94 = arith.index_cast %get3A_93 : i32 to index
      %get3A_95 = arith.constant 0 : index
      %get3A_96 = tpu.vector_load %arg6[%get3A_94, %get3A_95] {strides = array<i32>} : memref<16x128xf32, #tpu.memory_space<vmem>>, vector<1x16xf32>,
      %get3A_97 = vector.shape_cast %get3A_96 : vector<1x16xf32> to vector<16xf32>
      %add3A_98 = arith.addf %add3A_92, %get3A_97 : vector<16xf32>
      %get3A_99 = arith.constant 14 : i32
      %get3A_100 = arith.index_cast %get3A_99 : i32 to index
      %get3A_101 = arith.constant 0 : index
      %get3A_102 = tpu.vector_load %arg6[%get3A_100, %get3A_101] {strides = array<i32>} : memref<16x128xf32, #tpu.memory_space<vmem>>, vector<1x16xf32>,
      %get3A_103 = vector.shape_cast %get3A_102 : vector<1x16xf32> to vector<16xf32>
      %add3A_104 = arith.addf %add3A_98, %get3A_103 : vector<16xf32>
      %get3A_105 = arith.constant 15 : i32
      %get3A_106 = arith.index_cast %get3A_105 : i32 to index
      %get3A_107 = arith.constant 0 : index
      %get3A_108 = tpu.vector_load %arg6[%get3A_106, %get3A_107] {strides = array<i32>} : memref<16x128xf32, #tpu.memory_space<vmem>>, vector<1x16xf32>,
      %get3A_109 = vector.shape_cast %get3A_108 : vector<1x16xf32> to vector<16xf32>
      %add3A_110 = arith.addf %add3A_104, %get3A_109 : vector<16xf32>
      %swap3A_111 = arith.constant 0 : index
      %swap3A_112 = tpu.vector_load %arg7[%swap3A_111] {strides = array<i32>} : memref<128xf32, #tpu.memory_space<vmem>>, vector<16xf32>,
      %swap3A_113 = vector.shape_cast %swap3A_112 : vector<16xf32> to vector<16xf32>
      %swap3A_114 = vector.shape_cast %add3A_110 : vector<16xf32> to vector<16xf32>
      tpu.vector_store %arg7[%swap3A_111], %swap3A_114 {strides = array<i32>} : memref<128xf32, #tpu.memory_space<vmem>>, vector<16xf32>,
      %get3A_115 = arith.constant 0 : i32
      %get3A_116 = arith.index_cast %get3A_115 : i32 to index
      %get3A_117 = arith.constant 16 : index
      %get3A_118 = tpu.vector_load %arg6[%get3A_116, %get3A_117] {strides = array<i32>} : memref<16x128xf32, #tpu.memory_space<vmem>>, vector<1x16xf32>,
      %get3A_119 = vector.shape_cast %get3A_118 : vector<1x16xf32> to vector<16xf32>
      %get3A_120 = arith.constant 1 : i32
      %get3A_121 = arith.index_cast %get3A_120 : i32 to index
      %get3A_122 = arith.constant 16 : index
      %get3A_123 = tpu.vector_load %arg6[%get3A_121, %get3A_122] {strides = array<i32>} : memref<16x128xf32, #tpu.memory_space<vmem>>, vector<1x16xf32>,
      %get3A_124 = vector.shape_cast %get3A_123 : vector<1x16xf32> to vector<16xf32>
      %add3A_125 = arith.addf %get3A_119, %get3A_124 : vector<16xf32>
      %get3A_126 = arith.constant 2 : i32
      %get3A_127 = arith.index_cast %get3A_126 : i32 to index
      %get3A_128 = arith.constant 16 : index
      %get3A_129 = tpu.vector_load %arg6[%get3A_127, %get3A_128] {strides = array<i32>} : memref<16x128xf32, #tpu.memory_space<vmem>>, vector<1x16xf32>,
      %get3A_130 = vector.shape_cast %get3A_129 : vector<1x16xf32> to vector<16xf32>
      %add3A_131 = arith.addf %add3A_125, %get3A_130 : vector<16xf32>
      %get3A_132 = arith.constant 3 : i32
      %get3A_133 = arith.index_cast %get3A_132 : i32 to index
      %get3A_134 = arith.constant 16 : index
      %get3A_135 = tpu.vector_load %arg6[%get3A_133, %get3A_134] {strides = array<i32>} : memref<16x128xf32, #tpu.memory_space<vmem>>, vector<1x16xf32>,
      %get3A_136 = vector.shape_cast %get3A_135 : vector<1x16xf32> to vector<16xf32>
      %add3A_137 = arith.addf %add3A_131, %get3A_136 : vector<16xf32>
      %get3A_138 = arith.constant 4 : i32
      %get3A_139 = arith.index_cast %get3A_138 : i32 to index
      %get3A_140 = arith.constant 16 : index
      %get3A_141 = tpu.vector_load %arg6[%get3A_139, %get3A_140] {strides = array<i32>} : memref<16x128xf32, #tpu.memory_space<vmem>>, vector<1x16xf32>,
      %get3A_142 = vector.shape_cast %get3A_141 : vector<1x16xf32> to vector<16xf32>
      %add3A_143 = arith.addf %add3A_137, %get3A_142 : vector<16xf32>
      %get3A_144 = arith.constant 5 : i32
      %get3A_145 = arith.index_cast %get3A_144 : i32 to index
      %get3A_146 = arith.constant 16 : index
      %get3A_147 = tpu.vector_load %arg6[%get3A_145, %get3A_146] {strides = array<i32>} : memref<16x128xf32, #tpu.memory_space<vmem>>, vector<1x16xf32>,
      %get3A_148 = vector.shape_cast %get3A_147 : vector<1x16xf32> to vector<16xf32>
      %add3A_149 = arith.addf %add3A_143, %get3A_148 : vector<16xf32>
      %get3A_150 = arith.constant 6 : i32
      %get3A_151 = arith.index_cast %get3A_150 : i32 to index
      %get3A_152 = arith.constant 16 : index
      %get3A_153 = tpu.vector_load %arg6[%get3A_151, %get3A_152] {strides = array<i32>} : memref<16x128xf32, #tpu.memory_space<vmem>>, vector<1x16xf32>,
      %get3A_154 = vector.shape_cast %get3A_153 : vector<1x16xf32> to vector<16xf32>
      %add3A_155 = arith.addf %add3A_149, %get3A_154 : vector<16xf32>
      %get3A_156 = arith.constant 7 : i32
      %get3A_157 = arith.index_cast %get3A_156 : i32 to index
      %get3A_158 = arith.constant 16 : index
      %get3A_159 = tpu.vector_load %arg6[%get3A_157, %get3A_158] {strides = array<i32>} : memref<16x128xf32, #tpu.memory_space<vmem>>, vector<1x16xf32>,
      %get3A_160 = vector.shape_cast %get3A_159 : vector<1x16xf32> to vector<16xf32>
      %add3A_161 = arith.addf %add3A_155, %get3A_160 : vector<16xf32>
      %get3A_162 = arith.constant 8 : i32
      %get3A_163 = arith.index_cast %get3A_162 : i32 to index
      %get3A_164 = arith.constant 16 : index
      %get3A_165 = tpu.vector_load %arg6[%get3A_163, %get3A_164] {strides = array<i32>} : memref<16x128xf32, #tpu.memory_space<vmem>>, vector<1x16xf32>,
      %get3A_166 = vector.shape_cast %get3A_165 : vector<1x16xf32> to vector<16xf32>
      %add3A_167 = arith.addf %add3A_161, %get3A_166 : vector<16xf32>
      %get3A_168 = arith.constant 9 : i32
      %get3A_169 = arith.index_cast %get3A_168 : i32 to index
      %get3A_170 = arith.constant 16 : index
      %get3A_171 = tpu.vector_load %arg6[%get3A_169, %get3A_170] {strides = array<i32>} : memref<16x128xf32, #tpu.memory_space<vmem>>, vector<1x16xf32>,
      %get3A_172 = vector.shape_cast %get3A_171 : vector<1x16xf32> to vector<16xf32>
      %add3A_173 = arith.addf %add3A_167, %get3A_172 : vector<16xf32>
      %get3A_174 = arith.constant 10 : i32
      %get3A_175 = arith.index_cast %get3A_174 : i32 to index
      %get3A_176 = arith.constant 16 : index
      %get3A_177 = tpu.vector_load %arg6[%get3A_175, %get3A_176] {strides = array<i32>} : memref<16x128xf32, #tpu.memory_space<vmem>>, vector<1x16xf32>,
      %get3A_178 = vector.shape_cast %get3A_177 : vector<1x16xf32> to vector<16xf32>
      %add3A_179 = arith.addf %add3A_173, %get3A_178 : vector<16xf32>
      %get3A_180 = arith.constant 11 : i32
      %get3A_181 = arith.index_cast %get3A_180 : i32 to index
      %get3A_182 = arith.constant 16 : index
      %get3A_183 = tpu.vector_load %arg6[%get3A_181, %get3A_182] {strides = array<i32>} : memref<16x128xf32, #tpu.memory_space<vmem>>, vector<1x16xf32>,
      %get3A_184 = vector.shape_cast %get3A_183 : vector<1x16xf32> to vector<16xf32>
      %add3A_185 = arith.addf %add3A_179, %get3A_184 : vector<16xf32>
      %get3A_186 = arith.constant 12 : i32
      %get3A_187 = arith.index_cast %get3A_186 : i32 to index
      %get3A_188 = arith.constant 16 : index
      %get3A_189 = tpu.vector_load %arg6[%get3A_187, %get3A_188] {strides = array<i32>} : memref<16x128xf32, #tpu.memory_space<vmem>>, vector<1x16xf32>,
      %get3A_190 = vector.shape_cast %get3A_189 : vector<1x16xf32> to vector<16xf32>
      %add3A_191 = arith.addf %add3A_185, %get3A_190 : vector<16xf32>
      %get3A_192 = arith.constant 13 : i32
      %get3A_193 = arith.index_cast %get3A_192 : i32 to index
      %get3A_194 = arith.constant 16 : index
      %get3A_195 = tpu.vector_load %arg6[%get3A_193, %get3A_194] {strides = array<i32>} : memref<16x128xf32, #tpu.memory_space<vmem>>, vector<1x16xf32>,
      %get3A_196 = vector.shape_cast %get3A_195 : vector<1x16xf32> to vector<16xf32>
      %add3A_197 = arith.addf %add3A_191, %get3A_196 : vector<16xf32>
      %get3A_198 = arith.constant 14 : i32
      %get3A_199 = arith.index_cast %get3A_198 : i32 to index
      %get3A_200 = arith.constant 16 : index
      %get3A_201 = tpu.vector_load %arg6[%get3A_199, %get3A_200] {strides = array<i32>} : memref<16x128xf32, #tpu.memory_space<vmem>>, vector<1x16xf32>,
      %get3A_202 = vector.shape_cast %get3A_201 : vector<1x16xf32> to vector<16xf32>
      %add3A_203 = arith.addf %add3A_197, %get3A_202 : vector<16xf32>
      %get3A_204 = arith.constant 15 : i32
      %get3A_205 = arith.index_cast %get3A_204 : i32 to index
      %get3A_206 = arith.constant 16 : index
      %get3A_207 = tpu.vector_load %arg6[%get3A_205, %get3A_206] {strides = array<i32>} : memref<16x128xf32, #tpu.memory_space<vmem>>, vector<1x16xf32>,
      %get3A_208 = vector.shape_cast %get3A_207 : vector<1x16xf32> to vector<16xf32>
      %add3A_209 = arith.addf %add3A_203, %get3A_208 : vector<16xf32>
      %swap3A_210 = arith.constant 16 : index
      %swap3A_211 = tpu.vector_load %arg7[%swap3A_210] {strides = array<i32>} : memref<128xf32, #tpu.memory_space<vmem>>, vector<16xf32>,
      %swap3A_212 = vector.shape_cast %swap3A_211 : vector<16xf32> to vector<16xf32>
      %swap3A_213 = vector.shape_cast %add3A_209 : vector<16xf32> to vector<16xf32>
      tpu.vector_store %arg7[%swap3A_210], %swap3A_213 {strides = array<i32>} : memref<128xf32, #tpu.memory_space<vmem>>, vector<16xf32>,
      %get3A_214 = arith.constant 0 : i32
      %get3A_215 = arith.index_cast %get3A_214 : i32 to index
      %get3A_216 = arith.constant 32 : index
      %get3A_217 = tpu.vector_load %arg6[%get3A_215, %get3A_216] {strides = array<i32>} : memref<16x128xf32, #tpu.memory_space<vmem>>, vector<1x16xf32>,
      %get3A_218 = vector.shape_cast %get3A_217 : vector<1x16xf32> to vector<16xf32>
      %get3A_219 = arith.constant 1 : i32
      %get3A_220 = arith.index_cast %get3A_219 : i32 to index
      %get3A_221 = arith.constant 32 : index
      %get3A_222 = tpu.vector_load %arg6[%get3A_220, %get3A_221] {strides = array<i32>} : memref<16x128xf32, #tpu.memory_space<vmem>>, vector<1x16xf32>,
      %get3A_223 = vector.shape_cast %get3A_222 : vector<1x16xf32> to vector<16xf32>
      %add3A_224 = arith.addf %get3A_218, %get3A_223 : vector<16xf32>
      %get3A_225 = arith.constant 2 : i32
      %get3A_226 = arith.index_cast %get3A_225 : i32 to index
      %get3A_227 = arith.constant 32 : index
      %get3A_228 = tpu.vector_load %arg6[%get3A_226, %get3A_227] {strides = array<i32>} : memref<16x128xf32, #tpu.memory_space<vmem>>, vector<1x16xf32>,
      %get3A_229 = vector.shape_cast %get3A_228 : vector<1x16xf32> to vector<16xf32>
      %add3A_230 = arith.addf %add3A_224, %get3A_229 : vector<16xf32>
      %get3A_231 = arith.constant 3 : i32
      %get3A_232 = arith.index_cast %get3A_231 : i32 to index
      %get3A_233 = arith.constant 32 : index
      %get3A_234 = tpu.vector_load %arg6[%get3A_232, %get3A_233] {strides = array<i32>} : memref<16x128xf32, #tpu.memory_space<vmem>>, vector<1x16xf32>,
      %get3A_235 = vector.shape_cast %get3A_234 : vector<1x16xf32> to vector<16xf32>
      %add3A_236 = arith.addf %add3A_230, %get3A_235 : vector<16xf32>
      %get3A_237 = arith.constant 4 : i32
      %get3A_238 = arith.index_cast %get3A_237 : i32 to index
      %get3A_239 = arith.constant 32 : index
      %get3A_240 = tpu.vector_load %arg6[%get3A_238, %get3A_239] {strides = array<i32>} : memref<16x128xf32, #tpu.memory_space<vmem>>, vector<1x16xf32>,
      %get3A_241 = vector.shape_cast %get3A_240 : vector<1x16xf32> to vector<16xf32>
      %add3A_242 = arith.addf %add3A_236, %get3A_241 : vector<16xf32>
      %get3A_243 = arith.constant 5 : i32
      %get3A_244 = arith.index_cast %get3A_243 : i32 to index
      %get3A_245 = arith.constant 32 : index
      %get3A_246 = tpu.vector_load %arg6[%get3A_244, %get3A_245] {strides = array<i32>} : memref<16x128xf32, #tpu.memory_space<vmem>>, vector<1x16xf32>,
      %get3A_247 = vector.shape_cast %get3A_246 : vector<1x16xf32> to vector<16xf32>
      %add3A_248 = arith.addf %add3A_242, %get3A_247 : vector<16xf32>
      %get3A_249 = arith.constant 6 : i32
      %get3A_250 = arith.index_cast %get3A_249 : i32 to index
      %get3A_251 = arith.constant 32 : index
      %get3A_252 = tpu.vector_load %arg6[%get3A_250, %get3A_251] {strides = array<i32>} : memref<16x128xf32, #tpu.memory_space<vmem>>, vector<1x16xf32>,
      %get3A_253 = vector.shape_cast %get3A_252 : vector<1x16xf32> to vector<16xf32>
      %add3A_254 = arith.addf %add3A_248, %get3A_253 : vector<16xf32>
      %get3A_255 = arith.constant 7 : i32
      %get3A_256 = arith.index_cast %get3A_255 : i32 to index
      %get3A_257 = arith.constant 32 : index
      %get3A_258 = tpu.vector_load %arg6[%get3A_256, %get3A_257] {strides = array<i32>} : memref<16x128xf32, #tpu.memory_space<vmem>>, vector<1x16xf32>,
      %get3A_259 = vector.shape_cast %get3A_258 : vector<1x16xf32> to vector<16xf32>
      %add3A_260 = arith.addf %add3A_254, %get3A_259 : vector<16xf32>
      %get3A_261 = arith.constant 8 : i32
      %get3A_262 = arith.index_cast %get3A_261 : i32 to index
      %get3A_263 = arith.constant 32 : index
      %get3A_264 = tpu.vector_load %arg6[%get3A_262, %get3A_263] {strides = array<i32>} : memref<16x128xf32, #tpu.memory_space<vmem>>, vector<1x16xf32>,
      %get3A_265 = vector.shape_cast %get3A_264 : vector<1x16xf32> to vector<16xf32>
      %add3A_266 = arith.addf %add3A_260, %get3A_265 : vector<16xf32>
      %get3A_267 = arith.constant 9 : i32
      %get3A_268 = arith.index_cast %get3A_267 : i32 to index
      %get3A_269 = arith.constant 32 : index
      %get3A_270 = tpu.vector_load %arg6[%get3A_268, %get3A_269] {strides = array<i32>} : memref<16x128xf32, #tpu.memory_space<vmem>>, vector<1x16xf32>,
      %get3A_271 = vector.shape_cast %get3A_270 : vector<1x16xf32> to vector<16xf32>
      %add3A_272 = arith.addf %add3A_266, %get3A_271 : vector<16xf32>
      %get3A_273 = arith.constant 10 : i32
      %get3A_274 = arith.index_cast %get3A_273 : i32 to index
      %get3A_275 = arith.constant 32 : index
      %get3A_276 = tpu.vector_load %arg6[%get3A_274, %get3A_275] {strides = array<i32>} : memref<16x128xf32, #tpu.memory_space<vmem>>, vector<1x16xf32>,
      %get3A_277 = vector.shape_cast %get3A_276 : vector<1x16xf32> to vector<16xf32>
      %add3A_278 = arith.addf %add3A_272, %get3A_277 : vector<16xf32>
      %get3A_279 = arith.constant 11 : i32
      %get3A_280 = arith.index_cast %get3A_279 : i32 to index
      %get3A_281 = arith.constant 32 : index
      %get3A_282 = tpu.vector_load %arg6[%get3A_280, %get3A_281] {strides = array<i32>} : memref<16x128xf32, #tpu.memory_space<vmem>>, vector<1x16xf32>,
      %get3A_283 = vector.shape_cast %get3A_282 : vector<1x16xf32> to vector<16xf32>
      %add3A_284 = arith.addf %add3A_278, %get3A_283 : vector<16xf32>
      %get3A_285 = arith.constant 12 : i32
      %get3A_286 = arith.index_cast %get3A_285 : i32 to index
      %get3A_287 = arith.constant 32 : index
      %get3A_288 = tpu.vector_load %arg6[%get3A_286, %get3A_287] {strides = array<i32>} : memref<16x128xf32, #tpu.memory_space<vmem>>, vector<1x16xf32>,
      %get3A_289 = vector.shape_cast %get3A_288 : vector<1x16xf32> to vector<16xf32>
      %add3A_290 = arith.addf %add3A_284, %get3A_289 : vector<16xf32>
      %get3A_291 = arith.constant 13 : i32
      %get3A_292 = arith.index_cast %get3A_291 : i32 to index
      %get3A_293 = arith.constant 32 : index
      %get3A_294 = tpu.vector_load %arg6[%get3A_292, %get3A_293] {strides = array<i32>} : memref<16x128xf32, #tpu.memory_space<vmem>>, vector<1x16xf32>,
      %get3A_295 = vector.shape_cast %get3A_294 : vector<1x16xf32> to vector<16xf32>
      %add3A_296 = arith.addf %add3A_290, %get3A_295 : vector<16xf32>
      %get3A_297 = arith.constant 14 : i32
      %get3A_298 = arith.index_cast %get3A_297 : i32 to index
      %get3A_299 = arith.constant 32 : index
      %get3A_300 = tpu.vector_load %arg6[%get3A_298, %get3A_299] {strides = array<i32>} : memref<16x128xf32, #tpu.memory_space<vmem>>, vector<1x16xf32>,
      %get3A_301 = vector.shape_cast %get3A_300 : vector<1x16xf32> to vector<16xf32>
      %add3A_302 = arith.addf %add3A_296, %get3A_301 : vector<16xf32>
      %get3A_303 = arith.constant 15 : i32
      %get3A_304 = arith.index_cast %get3A_303 : i32 to index
      %get3A_305 = arith.constant 32 : index
      %get3A_306 = tpu.vector_load %arg6[%get3A_304, %get3A_305] {strides = array<i32>} : memref<16x128xf32, #tpu.memory_space<vmem>>, vector<1x16xf32>,
      %get3A_307 = vector.shape_cast %get3A_306 : vector<1x16xf32> to vector<16xf32>
      %add3A_308 = arith.addf %add3A_302, %get3A_307 : vector<16xf32>
      %swap3A_309 = arith.constant 32 : index
      %swap3A_310 = tpu.vector_load %arg7[%swap3A_309] {strides = array<i32>} : memref<128xf32, #tpu.memory_space<vmem>>, vector<16xf32>,
      %swap3A_311 = vector.shape_cast %swap3A_310 : vector<16xf32> to vector<16xf32>
      %swap3A_312 = vector.shape_cast %add3A_308 : vector<16xf32> to vector<16xf32>
      tpu.vector_store %arg7[%swap3A_309], %swap3A_312 {strides = array<i32>} : memref<128xf32, #tpu.memory_space<vmem>>, vector<16xf32>,
      %get3A_313 = arith.constant 0 : i32
      %get3A_314 = arith.index_cast %get3A_313 : i32 to index
      %get3A_315 = arith.constant 48 : index
      %get3A_316 = tpu.vector_load %arg6[%get3A_314, %get3A_315] {strides = array<i32>} : memref<16x128xf32, #tpu.memory_space<vmem>>, vector<1x16xf32>,
      %get3A_317 = vector.shape_cast %get3A_316 : vector<1x16xf32> to vector<16xf32>
      %get3A_318 = arith.constant 1 : i32
      %get3A_319 = arith.index_cast %get3A_318 : i32 to index
      %get3A_320 = arith.constant 48 : index
      %get3A_321 = tpu.vector_load %arg6[%get3A_319, %get3A_320] {strides = array<i32>} : memref<16x128xf32, #tpu.memory_space<vmem>>, vector<1x16xf32>,
      %get3A_322 = vector.shape_cast %get3A_321 : vector<1x16xf32> to vector<16xf32>
      %add3A_323 = arith.addf %get3A_317, %get3A_322 : vector<16xf32>
      %get3A_324 = arith.constant 2 : i32
      %get3A_325 = arith.index_cast %get3A_324 : i32 to index
      %get3A_326 = arith.constant 48 : index
      %get3A_327 = tpu.vector_load %arg6[%get3A_325, %get3A_326] {strides = array<i32>} : memref<16x128xf32, #tpu.memory_space<vmem>>, vector<1x16xf32>,
      %get3A_328 = vector.shape_cast %get3A_327 : vector<1x16xf32> to vector<16xf32>
      %add3A_329 = arith.addf %add3A_323, %get3A_328 : vector<16xf32>
      %get3A_330 = arith.constant 3 : i32
      %get3A_331 = arith.index_cast %get3A_330 : i32 to index
      %get3A_332 = arith.constant 48 : index
      %get3A_333 = tpu.vector_load %arg6[%get3A_331, %get3A_332] {strides = array<i32>} : memref<16x128xf32, #tpu.memory_space<vmem>>, vector<1x16xf32>,
      %get3A_334 = vector.shape_cast %get3A_333 : vector<1x16xf32> to vector<16xf32>
      %add3A_335 = arith.addf %add3A_329, %get3A_334 : vector<16xf32>
      %get3A_336 = arith.constant 4 : i32
      %get3A_337 = arith.index_cast %get3A_336 : i32 to index
      %get3A_338 = arith.constant 48 : index
      %get3A_339 = tpu.vector_load %arg6[%get3A_337, %get3A_338] {strides = array<i32>} : memref<16x128xf32, #tpu.memory_space<vmem>>, vector<1x16xf32>,
      %get3A_340 = vector.shape_cast %get3A_339 : vector<1x16xf32> to vector<16xf32>
      %add3A_341 = arith.addf %add3A_335, %get3A_340 : vector<16xf32>
      %get3A_342 = arith.constant 5 : i32
      %get3A_343 = arith.index_cast %get3A_342 : i32 to index
      %get3A_344 = arith.constant 48 : index
      %get3A_345 = tpu.vector_load %arg6[%get3A_343, %get3A_344] {strides = array<i32>} : memref<16x128xf32, #tpu.memory_space<vmem>>, vector<1x16xf32>,
      %get3A_346 = vector.shape_cast %get3A_345 : vector<1x16xf32> to vector<16xf32>
      %add3A_347 = arith.addf %add3A_341, %get3A_346 : vector<16xf32>
      %get3A_348 = arith.constant 6 : i32
      %get3A_349 = arith.index_cast %get3A_348 : i32 to index
      %get3A_350 = arith.constant 48 : index
      %get3A_351 = tpu.vector_load %arg6[%get3A_349, %get3A_350] {strides = array<i32>} : memref<16x128xf32, #tpu.memory_space<vmem>>, vector<1x16xf32>,
      %get3A_352 = vector.shape_cast %get3A_351 : vector<1x16xf32> to vector<16xf32>
      %add3A_353 = arith.addf %add3A_347, %get3A_352 : vector<16xf32>
      %get3A_354 = arith.constant 7 : i32
      %get3A_355 = arith.index_cast %get3A_354 : i32 to index
      %get3A_356 = arith.constant 48 : index
      %get3A_357 = tpu.vector_load %arg6[%get3A_355, %get3A_356] {strides = array<i32>} : memref<16x128xf32, #tpu.memory_space<vmem>>, vector<1x16xf32>,
      %get3A_358 = vector.shape_cast %get3A_357 : vector<1x16xf32> to vector<16xf32>
      %add3A_359 = arith.addf %add3A_353, %get3A_358 : vector<16xf32>
      %get3A_360 = arith.constant 8 : i32
      %get3A_361 = arith.index_cast %get3A_360 : i32 to index
      %get3A_362 = arith.constant 48 : index
      %get3A_363 = tpu.vector_load %arg6[%get3A_361, %get3A_362] {strides = array<i32>} : memref<16x128xf32, #tpu.memory_space<vmem>>, vector<1x16xf32>,
      %get3A_364 = vector.shape_cast %get3A_363 : vector<1x16xf32> to vector<16xf32>
      %add3A_365 = arith.addf %add3A_359, %get3A_364 : vector<16xf32>
      %get3A_366 = arith.constant 9 : i32
      %get3A_367 = arith.index_cast %get3A_366 : i32 to index
      %get3A_368 = arith.constant 48 : index
      %get3A_369 = tpu.vector_load %arg6[%get3A_367, %get3A_368] {strides = array<i32>} : memref<16x128xf32, #tpu.memory_space<vmem>>, vector<1x16xf32>,
      %get3A_370 = vector.shape_cast %get3A_369 : vector<1x16xf32> to vector<16xf32>
      %add3A_371 = arith.addf %add3A_365, %get3A_370 : vector<16xf32>
      %get3A_372 = arith.constant 10 : i32
      %get3A_373 = arith.index_cast %get3A_372 : i32 to index
      %get3A_374 = arith.constant 48 : index
      %get3A_375 = tpu.vector_load %arg6[%get3A_373, %get3A_374] {strides = array<i32>} : memref<16x128xf32, #tpu.memory_space<vmem>>, vector<1x16xf32>,
      %get3A_376 = vector.shape_cast %get3A_375 : vector<1x16xf32> to vector<16xf32>
      %add3A_377 = arith.addf %add3A_371, %get3A_376 : vector<16xf32>
      %get3A_378 = arith.constant 11 : i32
      %get3A_379 = arith.index_cast %get3A_378 : i32 to index
      %get3A_380 = arith.constant 48 : index
      %get3A_381 = tpu.vector_load %arg6[%get3A_379, %get3A_380] {strides = array<i32>} : memref<16x128xf32, #tpu.memory_space<vmem>>, vector<1x16xf32>,
      %get3A_382 = vector.shape_cast %get3A_381 : vector<1x16xf32> to vector<16xf32>
      %add3A_383 = arith.addf %add3A_377, %get3A_382 : vector<16xf32>
      %get3A_384 = arith.constant 12 : i32
      %get3A_385 = arith.index_cast %get3A_384 : i32 to index
      %get3A_386 = arith.constant 48 : index
      %get3A_387 = tpu.vector_load %arg6[%get3A_385, %get3A_386] {strides = array<i32>} : memref<16x128xf32, #tpu.memory_space<vmem>>, vector<1x16xf32>,
      %get3A_388 = vector.shape_cast %get3A_387 : vector<1x16xf32> to vector<16xf32>
      %add3A_389 = arith.addf %add3A_383, %get3A_388 : vector<16xf32>
      %get3A_390 = arith.constant 13 : i32
      %get3A_391 = arith.index_cast %get3A_390 : i32 to index
      %get3A_392 = arith.constant 48 : index
      %get3A_393 = tpu.vector_load %arg6[%get3A_391, %get3A_392] {strides = array<i32>} : memref<16x128xf32, #tpu.memory_space<vmem>>, vector<1x16xf32>,
      %get3A_394 = vector.shape_cast %get3A_393 : vector<1x16xf32> to vector<16xf32>
      %add3A_395 = arith.addf %add3A_389, %get3A_394 : vector<16xf32>
      %get3A_396 = arith.constant 14 : i32
      %get3A_397 = arith.index_cast %get3A_396 : i32 to index
      %get3A_398 = arith.constant 48 : index
      %get3A_399 = tpu.vector_load %arg6[%get3A_397, %get3A_398] {strides = array<i32>} : memref<16x128xf32, #tpu.memory_space<vmem>>, vector<1x16xf32>,
      %get3A_400 = vector.shape_cast %get3A_399 : vector<1x16xf32> to vector<16xf32>
      %add3A_401 = arith.addf %add3A_395, %get3A_400 : vector<16xf32>
      %get3A_402 = arith.constant 15 : i32
      %get3A_403 = arith.index_cast %get3A_402 : i32 to index
      %get3A_404 = arith.constant 48 : index
      %get3A_405 = tpu.vector_load %arg6[%get3A_403, %get3A_404] {strides = array<i32>} : memref<16x128xf32, #tpu.memory_space<vmem>>, vector<1x16xf32>,
      %get3A_406 = vector.shape_cast %get3A_405 : vector<1x16xf32> to vector<16xf32>
      %add3A_407 = arith.addf %add3A_401, %get3A_406 : vector<16xf32>
      %swap3A_408 = arith.constant 48 : index
      %swap3A_409 = tpu.vector_load %arg7[%swap3A_408] {strides = array<i32>} : memref<128xf32, #tpu.memory_space<vmem>>, vector<16xf32>,
      %swap3A_410 = vector.shape_cast %swap3A_409 : vector<16xf32> to vector<16xf32>
      %swap3A_411 = vector.shape_cast %add3A_407 : vector<16xf32> to vector<16xf32>
      tpu.vector_store %arg7[%swap3A_408], %swap3A_411 {strides = array<i32>} : memref<128xf32, #tpu.memory_space<vmem>>, vector<16xf32>,
      %get3A_412 = arith.constant 0 : i32
      %get3A_413 = arith.index_cast %get3A_412 : i32 to index
      %get3A_414 = arith.constant 64 : index
      %get3A_415 = tpu.vector_load %arg6[%get3A_413, %get3A_414] {strides = array<i32>} : memref<16x128xf32, #tpu.memory_space<vmem>>, vector<1x16xf32>,
      %get3A_416 = vector.shape_cast %get3A_415 : vector<1x16xf32> to vector<16xf32>
      %get3A_417 = arith.constant 1 : i32
      %get3A_418 = arith.index_cast %get3A_417 : i32 to index
      %get3A_419 = arith.constant 64 : index
      %get3A_420 = tpu.vector_load %arg6[%get3A_418, %get3A_419] {strides = array<i32>} : memref<16x128xf32, #tpu.memory_space<vmem>>, vector<1x16xf32>,
      %get3A_421 = vector.shape_cast %get3A_420 : vector<1x16xf32> to vector<16xf32>
      %add3A_422 = arith.addf %get3A_416, %get3A_421 : vector<16xf32>
      %get3A_423 = arith.constant 2 : i32
      %get3A_424 = arith.index_cast %get3A_423 : i32 to index
      %get3A_425 = arith.constant 64 : index
      %get3A_426 = tpu.vector_load %arg6[%get3A_424, %get3A_425] {strides = array<i32>} : memref<16x128xf32, #tpu.memory_space<vmem>>, vector<1x16xf32>,
      %get3A_427 = vector.shape_cast %get3A_426 : vector<1x16xf32> to vector<16xf32>
      %add3A_428 = arith.addf %add3A_422, %get3A_427 : vector<16xf32>
      %get3A_429 = arith.constant 3 : i32
      %get3A_430 = arith.index_cast %get3A_429 : i32 to index
      %get3A_431 = arith.constant 64 : index
      %get3A_432 = tpu.vector_load %arg6[%get3A_430, %get3A_431] {strides = array<i32>} : memref<16x128xf32, #tpu.memory_space<vmem>>, vector<1x16xf32>,
      %get3A_433 = vector.shape_cast %get3A_432 : vector<1x16xf32> to vector<16xf32>
      %add3A_434 = arith.addf %add3A_428, %get3A_433 : vector<16xf32>
      %get3A_435 = arith.constant 4 : i32
      %get3A_436 = arith.index_cast %get3A_435 : i32 to index
      %get3A_437 = arith.constant 64 : index
      %get3A_438 = tpu.vector_load %arg6[%get3A_436, %get3A_437] {strides = array<i32>} : memref<16x128xf32, #tpu.memory_space<vmem>>, vector<1x16xf32>,
      %get3A_439 = vector.shape_cast %get3A_438 : vector<1x16xf32> to vector<16xf32>
      %add3A_440 = arith.addf %add3A_434, %get3A_439 : vector<16xf32>
      %get3A_441 = arith.constant 5 : i32
      %get3A_442 = arith.index_cast %get3A_441 : i32 to index
      %get3A_443 = arith.constant 64 : index
      %get3A_444 = tpu.vector_load %arg6[%get3A_442, %get3A_443] {strides = array<i32>} : memref<16x128xf32, #tpu.memory_space<vmem>>, vector<1x16xf32>,
      %get3A_445 = vector.shape_cast %get3A_444 : vector<1x16xf32> to vector<16xf32>
      %add3A_446 = arith.addf %add3A_440, %get3A_445 : vector<16xf32>
      %get3A_447 = arith.constant 6 : i32
      %get3A_448 = arith.index_cast %get3A_447 : i32 to index
      %get3A_449 = arith.constant 64 : index
      %get3A_450 = tpu.vector_load %arg6[%get3A_448, %get3A_449] {strides = array<i32>} : memref<16x128xf32, #tpu.memory_space<vmem>>, vector<1x16xf32>,
      %get3A_451 = vector.shape_cast %get3A_450 : vector<1x16xf32> to vector<16xf32>
      %add3A_452 = arith.addf %add3A_446, %get3A_451 : vector<16xf32>
      %get3A_453 = arith.constant 7 : i32
      %get3A_454 = arith.index_cast %get3A_453 : i32 to index
      %get3A_455 = arith.constant 64 : index
      %get3A_456 = tpu.vector_load %arg6[%get3A_454, %get3A_455] {strides = array<i32>} : memref<16x128xf32, #tpu.memory_space<vmem>>, vector<1x16xf32>,
      %get3A_457 = vector.shape_cast %get3A_456 : vector<1x16xf32> to vector<16xf32>
      %add3A_458 = arith.addf %add3A_452, %get3A_457 : vector<16xf32>
      %get3A_459 = arith.constant 8 : i32
      %get3A_460 = arith.index_cast %get3A_459 : i32 to index
      %get3A_461 = arith.constant 64 : index
      %get3A_462 = tpu.vector_load %arg6[%get3A_460, %get3A_461] {strides = array<i32>} : memref<16x128xf32, #tpu.memory_space<vmem>>, vector<1x16xf32>,
      %get3A_463 = vector.shape_cast %get3A_462 : vector<1x16xf32> to vector<16xf32>
      %add3A_464 = arith.addf %add3A_458, %get3A_463 : vector<16xf32>
      %get3A_465 = arith.constant 9 : i32
      %get3A_466 = arith.index_cast %get3A_465 : i32 to index
      %get3A_467 = arith.constant 64 : index
      %get3A_468 = tpu.vector_load %arg6[%get3A_466, %get3A_467] {strides = array<i32>} : memref<16x128xf32, #tpu.memory_space<vmem>>, vector<1x16xf32>,
      %get3A_469 = vector.shape_cast %get3A_468 : vector<1x16xf32> to vector<16xf32>
      %add3A_470 = arith.addf %add3A_464, %get3A_469 : vector<16xf32>
      %get3A_471 = arith.constant 10 : i32
      %get3A_472 = arith.index_cast %get3A_471 : i32 to index
      %get3A_473 = arith.constant 64 : index
      %get3A_474 = tpu.vector_load %arg6[%get3A_472, %get3A_473] {strides = array<i32>} : memref<16x128xf32, #tpu.memory_space<vmem>>, vector<1x16xf32>,
      %get3A_475 = vector.shape_cast %get3A_474 : vector<1x16xf32> to vector<16xf32>
      %add3A_476 = arith.addf %add3A_470, %get3A_475 : vector<16xf32>
      %get3A_477 = arith.constant 11 : i32
      %get3A_478 = arith.index_cast %get3A_477 : i32 to index
      %get3A_479 = arith.constant 64 : index
      %get3A_480 = tpu.vector_load %arg6[%get3A_478, %get3A_479] {strides = array<i32>} : memref<16x128xf32, #tpu.memory_space<vmem>>, vector<1x16xf32>,
      %get3A_481 = vector.shape_cast %get3A_480 : vector<1x16xf32> to vector<16xf32>
      %add3A_482 = arith.addf %add3A_476, %get3A_481 : vector<16xf32>
      %get3A_483 = arith.constant 12 : i32
      %get3A_484 = arith.index_cast %get3A_483 : i32 to index
      %get3A_485 = arith.constant 64 : index
      %get3A_486 = tpu.vector_load %arg6[%get3A_484, %get3A_485] {strides = array<i32>} : memref<16x128xf32, #tpu.memory_space<vmem>>, vector<1x16xf32>,
      %get3A_487 = vector.shape_cast %get3A_486 : vector<1x16xf32> to vector<16xf32>
      %add3A_488 = arith.addf %add3A_482, %get3A_487 : vector<16xf32>
      %get3A_489 = arith.constant 13 : i32
      %get3A_490 = arith.index_cast %get3A_489 : i32 to index
      %get3A_491 = arith.constant 64 : index
      %get3A_492 = tpu.vector_load %arg6[%get3A_490, %get3A_491] {strides = array<i32>} : memref<16x128xf32, #tpu.memory_space<vmem>>, vector<1x16xf32>,
      %get3A_493 = vector.shape_cast %get3A_492 : vector<1x16xf32> to vector<16xf32>
      %add3A_494 = arith.addf %add3A_488, %get3A_493 : vector<16xf32>
      %get3A_495 = arith.constant 14 : i32
      %get3A_496 = arith.index_cast %get3A_495 : i32 to index
      %get3A_497 = arith.constant 64 : index
      %get3A_498 = tpu.vector_load %arg6[%get3A_496, %get3A_497] {strides = array<i32>} : memref<16x128xf32, #tpu.memory_space<vmem>>, vector<1x16xf32>,
      %get3A_499 = vector.shape_cast %get3A_498 : vector<1x16xf32> to vector<16xf32>
      %add3A_500 = arith.addf %add3A_494, %get3A_499 : vector<16xf32>
      %get3A_501 = arith.constant 15 : i32
      %get3A_502 = arith.index_cast %get3A_501 : i32 to index
      %get3A_503 = arith.constant 64 : index
      %get3A_504 = tpu.vector_load %arg6[%get3A_502, %get3A_503] {strides = array<i32>} : memref<16x128xf32, #tpu.memory_space<vmem>>, vector<1x16xf32>,
      %get3A_505 = vector.shape_cast %get3A_504 : vector<1x16xf32> to vector<16xf32>
      %add3A_506 = arith.addf %add3A_500, %get3A_505 : vector<16xf32>
      %swap3A_507 = arith.constant 64 : index
      %swap3A_508 = tpu.vector_load %arg7[%swap3A_507] {strides = array<i32>} : memref<128xf32, #tpu.memory_space<vmem>>, vector<16xf32>,
      %swap3A_509 = vector.shape_cast %swap3A_508 : vector<16xf32> to vector<16xf32>
      %swap3A_510 = vector.shape_cast %add3A_506 : vector<16xf32> to vector<16xf32>
      tpu.vector_store %arg7[%swap3A_507], %swap3A_510 {strides = array<i32>} : memref<128xf32, #tpu.memory_space<vmem>>, vector<16xf32>,
      %get3A_511 = arith.constant 0 : i32
      %get3A_512 = arith.index_cast %get3A_511 : i32 to index
      %get3A_513 = arith.constant 80 : index
      %get3A_514 = tpu.vector_load %arg6[%get3A_512, %get3A_513] {strides = array<i32>} : memref<16x128xf32, #tpu.memory_space<vmem>>, vector<1x16xf32>,
      %get3A_515 = vector.shape_cast %get3A_514 : vector<1x16xf32> to vector<16xf32>
      %get3A_516 = arith.constant 1 : i32
      %get3A_517 = arith.index_cast %get3A_516 : i32 to index
      %get3A_518 = arith.constant 80 : index
      %get3A_519 = tpu.vector_load %arg6[%get3A_517, %get3A_518] {strides = array<i32>} : memref<16x128xf32, #tpu.memory_space<vmem>>, vector<1x16xf32>,
      %get3A_520 = vector.shape_cast %get3A_519 : vector<1x16xf32> to vector<16xf32>
      %add3A_521 = arith.addf %get3A_515, %get3A_520 : vector<16xf32>
      %get3A_522 = arith.constant 2 : i32
      %get3A_523 = arith.index_cast %get3A_522 : i32 to index
      %get3A_524 = arith.constant 80 : index
      %get3A_525 = tpu.vector_load %arg6[%get3A_523, %get3A_524] {strides = array<i32>} : memref<16x128xf32, #tpu.memory_space<vmem>>, vector<1x16xf32>,
      %get3A_526 = vector.shape_cast %get3A_525 : vector<1x16xf32> to vector<16xf32>
      %add3A_527 = arith.addf %add3A_521, %get3A_526 : vector<16xf32>
      %get3A_528 = arith.constant 3 : i32
      %get3A_529 = arith.index_cast %get3A_528 : i32 to index
      %get3A_530 = arith.constant 80 : index
      %get3A_531 = tpu.vector_load %arg6[%get3A_529, %get3A_530] {strides = array<i32>} : memref<16x128xf32, #tpu.memory_space<vmem>>, vector<1x16xf32>,
      %get3A_532 = vector.shape_cast %get3A_531 : vector<1x16xf32> to vector<16xf32>
      %add3A_533 = arith.addf %add3A_527, %get3A_532 : vector<16xf32>
      %get3A_534 = arith.constant 4 : i32
      %get3A_535 = arith.index_cast %get3A_534 : i32 to index
      %get3A_536 = arith.constant 80 : index
      %get3A_537 = tpu.vector_load %arg6[%get3A_535, %get3A_536] {strides = array<i32>} : memref<16x128xf32, #tpu.memory_space<vmem>>, vector<1x16xf32>,
      %get3A_538 = vector.shape_cast %get3A_537 : vector<1x16xf32> to vector<16xf32>
      %add3A_539 = arith.addf %add3A_533, %get3A_538 : vector<16xf32>
      %get3A_540 = arith.constant 5 : i32
      %get3A_541 = arith.index_cast %get3A_540 : i32 to index
      %get3A_542 = arith.constant 80 : index
      %get3A_543 = tpu.vector_load %arg6[%get3A_541, %get3A_542] {strides = array<i32>} : memref<16x128xf32, #tpu.memory_space<vmem>>, vector<1x16xf32>,
      %get3A_544 = vector.shape_cast %get3A_543 : vector<1x16xf32> to vector<16xf32>
      %add3A_545 = arith.addf %add3A_539, %get3A_544 : vector<16xf32>
      %get3A_546 = arith.constant 6 : i32
      %get3A_547 = arith.index_cast %get3A_546 : i32 to index
      %get3A_548 = arith.constant 80 : index
      %get3A_549 = tpu.vector_load %arg6[%get3A_547, %get3A_548] {strides = array<i32>} : memref<16x128xf32, #tpu.memory_space<vmem>>, vector<1x16xf32>,
      %get3A_550 = vector.shape_cast %get3A_549 : vector<1x16xf32> to vector<16xf32>
      %add3A_551 = arith.addf %add3A_545, %get3A_550 : vector<16xf32>
      %get3A_552 = arith.constant 7 : i32
      %get3A_553 = arith.index_cast %get3A_552 : i32 to index
      %get3A_554 = arith.constant 80 : index
      %get3A_555 = tpu.vector_load %arg6[%get3A_553, %get3A_554] {strides = array<i32>} : memref<16x128xf32, #tpu.memory_space<vmem>>, vector<1x16xf32>,
      %get3A_556 = vector.shape_cast %get3A_555 : vector<1x16xf32> to vector<16xf32>
      %add3A_557 = arith.addf %add3A_551, %get3A_556 : vector<16xf32>
      %get3A_558 = arith.constant 8 : i32
      %get3A_559 = arith.index_cast %get3A_558 : i32 to index
      %get3A_560 = arith.constant 80 : index
      %get3A_561 = tpu.vector_load %arg6[%get3A_559, %get3A_560] {strides = array<i32>} : memref<16x128xf32, #tpu.memory_space<vmem>>, vector<1x16xf32>,
      %get3A_562 = vector.shape_cast %get3A_561 : vector<1x16xf32> to vector<16xf32>
      %add3A_563 = arith.addf %add3A_557, %get3A_562 : vector<16xf32>
      %get3A_564 = arith.constant 9 : i32
      %get3A_565 = arith.index_cast %get3A_564 : i32 to index
      %get3A_566 = arith.constant 80 : index
      %get3A_567 = tpu.vector_load %arg6[%get3A_565, %get3A_566] {strides = array<i32>} : memref<16x128xf32, #tpu.memory_space<vmem>>, vector<1x16xf32>,
      %get3A_568 = vector.shape_cast %get3A_567 : vector<1x16xf32> to vector<16xf32>
      %add3A_569 = arith.addf %add3A_563, %get3A_568 : vector<16xf32>
      %get3A_570 = arith.constant 10 : i32
      %get3A_571 = arith.index_cast %get3A_570 : i32 to index
      %get3A_572 = arith.constant 80 : index
      %get3A_573 = tpu.vector_load %arg6[%get3A_571, %get3A_572] {strides = array<i32>} : memref<16x128xf32, #tpu.memory_space<vmem>>, vector<1x16xf32>,
      %get3A_574 = vector.shape_cast %get3A_573 : vector<1x16xf32> to vector<16xf32>
      %add3A_575 = arith.addf %add3A_569, %get3A_574 : vector<16xf32>
      %get3A_576 = arith.constant 11 : i32
      %get3A_577 = arith.index_cast %get3A_576 : i32 to index
      %get3A_578 = arith.constant 80 : index
      %get3A_579 = tpu.vector_load %arg6[%get3A_577, %get3A_578] {strides = array<i32>} : memref<16x128xf32, #tpu.memory_space<vmem>>, vector<1x16xf32>,
      %get3A_580 = vector.shape_cast %get3A_579 : vector<1x16xf32> to vector<16xf32>
      %add3A_581 = arith.addf %add3A_575, %get3A_580 : vector<16xf32>
      %get3A_582 = arith.constant 12 : i32
      %get3A_583 = arith.index_cast %get3A_582 : i32 to index
      %get3A_584 = arith.constant 80 : index
      %get3A_585 = tpu.vector_load %arg6[%get3A_583, %get3A_584] {strides = array<i32>} : memref<16x128xf32, #tpu.memory_space<vmem>>, vector<1x16xf32>,
      %get3A_586 = vector.shape_cast %get3A_585 : vector<1x16xf32> to vector<16xf32>
      %add3A_587 = arith.addf %add3A_581, %get3A_586 : vector<16xf32>
      %get3A_588 = arith.constant 13 : i32
      %get3A_589 = arith.index_cast %get3A_588 : i32 to index
      %get3A_590 = arith.constant 80 : index
      %get3A_591 = tpu.vector_load %arg6[%get3A_589, %get3A_590] {strides = array<i32>} : memref<16x128xf32, #tpu.memory_space<vmem>>, vector<1x16xf32>,
      %get3A_592 = vector.shape_cast %get3A_591 : vector<1x16xf32> to vector<16xf32>
      %add3A_593 = arith.addf %add3A_587, %get3A_592 : vector<16xf32>
      %get3A_594 = arith.constant 14 : i32
      %get3A_595 = arith.index_cast %get3A_594 : i32 to index
      %get3A_596 = arith.constant 80 : index
      %get3A_597 = tpu.vector_load %arg6[%get3A_595, %get3A_596] {strides = array<i32>} : memref<16x128xf32, #tpu.memory_space<vmem>>, vector<1x16xf32>,
      %get3A_598 = vector.shape_cast %get3A_597 : vector<1x16xf32> to vector<16xf32>
      %add3A_599 = arith.addf %add3A_593, %get3A_598 : vector<16xf32>
      %get3A_600 = arith.constant 15 : i32
      %get3A_601 = arith.index_cast %get3A_600 : i32 to index
      %get3A_602 = arith.constant 80 : index
      %get3A_603 = tpu.vector_load %arg6[%get3A_601, %get3A_602] {strides = array<i32>} : memref<16x128xf32, #tpu.memory_space<vmem>>, vector<1x16xf32>,
      %get3A_604 = vector.shape_cast %get3A_603 : vector<1x16xf32> to vector<16xf32>
      %add3A_605 = arith.addf %add3A_599, %get3A_604 : vector<16xf32>
      %swap3A_606 = arith.constant 80 : index
      %swap3A_607 = tpu.vector_load %arg7[%swap3A_606] {strides = array<i32>} : memref<128xf32, #tpu.memory_space<vmem>>, vector<16xf32>,
      %swap3A_608 = vector.shape_cast %swap3A_607 : vector<16xf32> to vector<16xf32>
      %swap3A_609 = vector.shape_cast %add3A_605 : vector<16xf32> to vector<16xf32>
      tpu.vector_store %arg7[%swap3A_606], %swap3A_609 {strides = array<i32>} : memref<128xf32, #tpu.memory_space<vmem>>, vector<16xf32>,
      %get3A_610 = arith.constant 0 : i32
      %get3A_611 = arith.index_cast %get3A_610 : i32 to index
      %get3A_612 = arith.constant 96 : index
      %get3A_613 = tpu.vector_load %arg6[%get3A_611, %get3A_612] {strides = array<i32>} : memref<16x128xf32, #tpu.memory_space<vmem>>, vector<1x16xf32>,
      %get3A_614 = vector.shape_cast %get3A_613 : vector<1x16xf32> to vector<16xf32>
      %get3A_615 = arith.constant 1 : i32
      %get3A_616 = arith.index_cast %get3A_615 : i32 to index
      %get3A_617 = arith.constant 96 : index
      %get3A_618 = tpu.vector_load %arg6[%get3A_616, %get3A_617] {strides = array<i32>} : memref<16x128xf32, #tpu.memory_space<vmem>>, vector<1x16xf32>,
      %get3A_619 = vector.shape_cast %get3A_618 : vector<1x16xf32> to vector<16xf32>
      %add3A_620 = arith.addf %get3A_614, %get3A_619 : vector<16xf32>
      %get3A_621 = arith.constant 2 : i32
      %get3A_622 = arith.index_cast %get3A_621 : i32 to index
      %get3A_623 = arith.constant 96 : index
      %get3A_624 = tpu.vector_load %arg6[%get3A_622, %get3A_623] {strides = array<i32>} : memref<16x128xf32, #tpu.memory_space<vmem>>, vector<1x16xf32>,
      %get3A_625 = vector.shape_cast %get3A_624 : vector<1x16xf32> to vector<16xf32>
      %add3A_626 = arith.addf %add3A_620, %get3A_625 : vector<16xf32>
      %get3A_627 = arith.constant 3 : i32
      %get3A_628 = arith.index_cast %get3A_627 : i32 to index
      %get3A_629 = arith.constant 96 : index
      %get3A_630 = tpu.vector_load %arg6[%get3A_628, %get3A_629] {strides = array<i32>} : memref<16x128xf32, #tpu.memory_space<vmem>>, vector<1x16xf32>,
      %get3A_631 = vector.shape_cast %get3A_630 : vector<1x16xf32> to vector<16xf32>
      %add3A_632 = arith.addf %add3A_626, %get3A_631 : vector<16xf32>
      %get3A_633 = arith.constant 4 : i32
      %get3A_634 = arith.index_cast %get3A_633 : i32 to index
      %get3A_635 = arith.constant 96 : index
      %get3A_636 = tpu.vector_load %arg6[%get3A_634, %get3A_635] {strides = array<i32>} : memref<16x128xf32, #tpu.memory_space<vmem>>, vector<1x16xf32>,
      %get3A_637 = vector.shape_cast %get3A_636 : vector<1x16xf32> to vector<16xf32>
      %add3A_638 = arith.addf %add3A_632, %get3A_637 : vector<16xf32>
      %get3A_639 = arith.constant 5 : i32
      %get3A_640 = arith.index_cast %get3A_639 : i32 to index
      %get3A_641 = arith.constant 96 : index
      %get3A_642 = tpu.vector_load %arg6[%get3A_640, %get3A_641] {strides = array<i32>} : memref<16x128xf32, #tpu.memory_space<vmem>>, vector<1x16xf32>,
      %get3A_643 = vector.shape_cast %get3A_642 : vector<1x16xf32> to vector<16xf32>
      %add3A_644 = arith.addf %add3A_638, %get3A_643 : vector<16xf32>
      %get3A_645 = arith.constant 6 : i32
      %get3A_646 = arith.index_cast %get3A_645 : i32 to index
      %get3A_647 = arith.constant 96 : index
      %get3A_648 = tpu.vector_load %arg6[%get3A_646, %get3A_647] {strides = array<i32>} : memref<16x128xf32, #tpu.memory_space<vmem>>, vector<1x16xf32>,
      %get3A_649 = vector.shape_cast %get3A_648 : vector<1x16xf32> to vector<16xf32>
      %add3A_650 = arith.addf %add3A_644, %get3A_649 : vector<16xf32>
      %get3A_651 = arith.constant 7 : i32
      %get3A_652 = arith.index_cast %get3A_651 : i32 to index
      %get3A_653 = arith.constant 96 : index
      %get3A_654 = tpu.vector_load %arg6[%get3A_652, %get3A_653] {strides = array<i32>} : memref<16x128xf32, #tpu.memory_space<vmem>>, vector<1x16xf32>,
      %get3A_655 = vector.shape_cast %get3A_654 : vector<1x16xf32> to vector<16xf32>
      %add3A_656 = arith.addf %add3A_650, %get3A_655 : vector<16xf32>
      %get3A_657 = arith.constant 8 : i32
      %get3A_658 = arith.index_cast %get3A_657 : i32 to index
      %get3A_659 = arith.constant 96 : index
      %get3A_660 = tpu.vector_load %arg6[%get3A_658, %get3A_659] {strides = array<i32>} : memref<16x128xf32, #tpu.memory_space<vmem>>, vector<1x16xf32>,
      %get3A_661 = vector.shape_cast %get3A_660 : vector<1x16xf32> to vector<16xf32>
      %add3A_662 = arith.addf %add3A_656, %get3A_661 : vector<16xf32>
      %get3A_663 = arith.constant 9 : i32
      %get3A_664 = arith.index_cast %get3A_663 : i32 to index
      %get3A_665 = arith.constant 96 : index
      %get3A_666 = tpu.vector_load %arg6[%get3A_664, %get3A_665] {strides = array<i32>} : memref<16x128xf32, #tpu.memory_space<vmem>>, vector<1x16xf32>,
      %get3A_667 = vector.shape_cast %get3A_666 : vector<1x16xf32> to vector<16xf32>
      %add3A_668 = arith.addf %add3A_662, %get3A_667 : vector<16xf32>
      %get3A_669 = arith.constant 10 : i32
      %get3A_670 = arith.index_cast %get3A_669 : i32 to index
      %get3A_671 = arith.constant 96 : index
      %get3A_672 = tpu.vector_load %arg6[%get3A_670, %get3A_671] {strides = array<i32>} : memref<16x128xf32, #tpu.memory_space<vmem>>, vector<1x16xf32>,
      %get3A_673 = vector.shape_cast %get3A_672 : vector<1x16xf32> to vector<16xf32>
      %add3A_674 = arith.addf %add3A_668, %get3A_673 : vector<16xf32>
      %get3A_675 = arith.constant 11 : i32
      %get3A_676 = arith.index_cast %get3A_675 : i32 to index
      %get3A_677 = arith.constant 96 : index
      %get3A_678 = tpu.vector_load %arg6[%get3A_676, %get3A_677] {strides = array<i32>} : memref<16x128xf32, #tpu.memory_space<vmem>>, vector<1x16xf32>,
      %get3A_679 = vector.shape_cast %get3A_678 : vector<1x16xf32> to vector<16xf32>
      %add3A_680 = arith.addf %add3A_674, %get3A_679 : vector<16xf32>
      %get3A_681 = arith.constant 12 : i32
      %get3A_682 = arith.index_cast %get3A_681 : i32 to index
      %get3A_683 = arith.constant 96 : index
      %get3A_684 = tpu.vector_load %arg6[%get3A_682, %get3A_683] {strides = array<i32>} : memref<16x128xf32, #tpu.memory_space<vmem>>, vector<1x16xf32>,
      %get3A_685 = vector.shape_cast %get3A_684 : vector<1x16xf32> to vector<16xf32>
      %add3A_686 = arith.addf %add3A_680, %get3A_685 : vector<16xf32>
      %get3A_687 = arith.constant 13 : i32
      %get3A_688 = arith.index_cast %get3A_687 : i32 to index
      %get3A_689 = arith.constant 96 : index
      %get3A_690 = tpu.vector_load %arg6[%get3A_688, %get3A_689] {strides = array<i32>} : memref<16x128xf32, #tpu.memory_space<vmem>>, vector<1x16xf32>,
      %get3A_691 = vector.shape_cast %get3A_690 : vector<1x16xf32> to vector<16xf32>
      %add3A_692 = arith.addf %add3A_686, %get3A_691 : vector<16xf32>
      %get3A_693 = arith.constant 14 : i32
      %get3A_694 = arith.index_cast %get3A_693 : i32 to index
      %get3A_695 = arith.constant 96 : index
      %get3A_696 = tpu.vector_load %arg6[%get3A_694, %get3A_695] {strides = array<i32>} : memref<16x128xf32, #tpu.memory_space<vmem>>, vector<1x16xf32>,
      %get3A_697 = vector.shape_cast %get3A_696 : vector<1x16xf32> to vector<16xf32>
      %add3A_698 = arith.addf %add3A_692, %get3A_697 : vector<16xf32>
      %get3A_699 = arith.constant 15 : i32
      %get3A_700 = arith.index_cast %get3A_699 : i32 to index
      %get3A_701 = arith.constant 96 : index
      %get3A_702 = tpu.vector_load %arg6[%get3A_700, %get3A_701] {strides = array<i32>} : memref<16x128xf32, #tpu.memory_space<vmem>>, vector<1x16xf32>,
      %get3A_703 = vector.shape_cast %get3A_702 : vector<1x16xf32> to vector<16xf32>
      %add3A_704 = arith.addf %add3A_698, %get3A_703 : vector<16xf32>
      %swap3A_705 = arith.constant 96 : index
      %swap3A_706 = tpu.vector_load %arg7[%swap3A_705] {strides = array<i32>} : memref<128xf32, #tpu.memory_space<vmem>>, vector<16xf32>,
      %swap3A_707 = vector.shape_cast %swap3A_706 : vector<16xf32> to vector<16xf32>
      %swap3A_708 = vector.shape_cast %add3A_704 : vector<16xf32> to vector<16xf32>
      tpu.vector_store %arg7[%swap3A_705], %swap3A_708 {strides = array<i32>} : memref<128xf32, #tpu.memory_space<vmem>>, vector<16xf32>,
      %get3A_709 = arith.constant 0 : i32
      %get3A_710 = arith.index_cast %get3A_709 : i32 to index
      %get3A_711 = arith.constant 112 : index
      %get3A_712 = tpu.vector_load %arg6[%get3A_710, %get3A_711] {strides = array<i32>} : memref<16x128xf32, #tpu.memory_space<vmem>>, vector<1x16xf32>,
      %get3A_713 = vector.shape_cast %get3A_712 : vector<1x16xf32> to vector<16xf32>
      %get3A_714 = arith.constant 1 : i32
      %get3A_715 = arith.index_cast %get3A_714 : i32 to index
      %get3A_716 = arith.constant 112 : index
      %get3A_717 = tpu.vector_load %arg6[%get3A_715, %get3A_716] {strides = array<i32>} : memref<16x128xf32, #tpu.memory_space<vmem>>, vector<1x16xf32>,
      %get3A_718 = vector.shape_cast %get3A_717 : vector<1x16xf32> to vector<16xf32>
      %add3A_719 = arith.addf %get3A_713, %get3A_718 : vector<16xf32>
      %get3A_720 = arith.constant 2 : i32
      %get3A_721 = arith.index_cast %get3A_720 : i32 to index
      %get3A_722 = arith.constant 112 : index
      %get3A_723 = tpu.vector_load %arg6[%get3A_721, %get3A_722] {strides = array<i32>} : memref<16x128xf32, #tpu.memory_space<vmem>>, vector<1x16xf32>,
      %get3A_724 = vector.shape_cast %get3A_723 : vector<1x16xf32> to vector<16xf32>
      %add3A_725 = arith.addf %add3A_719, %get3A_724 : vector<16xf32>
      %get3A_726 = arith.constant 3 : i32
      %get3A_727 = arith.index_cast %get3A_726 : i32 to index
      %get3A_728 = arith.constant 112 : index
      %get3A_729 = tpu.vector_load %arg6[%get3A_727, %get3A_728] {strides = array<i32>} : memref<16x128xf32, #tpu.memory_space<vmem>>, vector<1x16xf32>,
      %get3A_730 = vector.shape_cast %get3A_729 : vector<1x16xf32> to vector<16xf32>
      %add3A_731 = arith.addf %add3A_725, %get3A_730 : vector<16xf32>
      %get3A_732 = arith.constant 4 : i32
      %get3A_733 = arith.index_cast %get3A_732 : i32 to index
      %get3A_734 = arith.constant 112 : index
      %get3A_735 = tpu.vector_load %arg6[%get3A_733, %get3A_734] {strides = array<i32>} : memref<16x128xf32, #tpu.memory_space<vmem>>, vector<1x16xf32>,
      %get3A_736 = vector.shape_cast %get3A_735 : vector<1x16xf32> to vector<16xf32>
      %add3A_737 = arith.addf %add3A_731, %get3A_736 : vector<16xf32>
      %get3A_738 = arith.constant 5 : i32
      %get3A_739 = arith.index_cast %get3A_738 : i32 to index
      %get3A_740 = arith.constant 112 : index
      %get3A_741 = tpu.vector_load %arg6[%get3A_739, %get3A_740] {strides = array<i32>} : memref<16x128xf32, #tpu.memory_space<vmem>>, vector<1x16xf32>,
      %get3A_742 = vector.shape_cast %get3A_741 : vector<1x16xf32> to vector<16xf32>
      %add3A_743 = arith.addf %add3A_737, %get3A_742 : vector<16xf32>
      %get3A_744 = arith.constant 6 : i32
      %get3A_745 = arith.index_cast %get3A_744 : i32 to index
      %get3A_746 = arith.constant 112 : index
      %get3A_747 = tpu.vector_load %arg6[%get3A_745, %get3A_746] {strides = array<i32>} : memref<16x128xf32, #tpu.memory_space<vmem>>, vector<1x16xf32>,
      %get3A_748 = vector.shape_cast %get3A_747 : vector<1x16xf32> to vector<16xf32>
      %add3A_749 = arith.addf %add3A_743, %get3A_748 : vector<16xf32>
      %get3A_750 = arith.constant 7 : i32
      %get3A_751 = arith.index_cast %get3A_750 : i32 to index
      %get3A_752 = arith.constant 112 : index
      %get3A_753 = tpu.vector_load %arg6[%get3A_751, %get3A_752] {strides = array<i32>} : memref<16x128xf32, #tpu.memory_space<vmem>>, vector<1x16xf32>,
      %get3A_754 = vector.shape_cast %get3A_753 : vector<1x16xf32> to vector<16xf32>
      %add3A_755 = arith.addf %add3A_749, %get3A_754 : vector<16xf32>
      %get3A_756 = arith.constant 8 : i32
      %get3A_757 = arith.index_cast %get3A_756 : i32 to index
      %get3A_758 = arith.constant 112 : index
      %get3A_759 = tpu.vector_load %arg6[%get3A_757, %get3A_758] {strides = array<i32>} : memref<16x128xf32, #tpu.memory_space<vmem>>, vector<1x16xf32>,
      %get3A_760 = vector.shape_cast %get3A_759 : vector<1x16xf32> to vector<16xf32>
      %add3A_761 = arith.addf %add3A_755, %get3A_760 : vector<16xf32>
      %get3A_762 = arith.constant 9 : i32
      %get3A_763 = arith.index_cast %get3A_762 : i32 to index
      %get3A_764 = arith.constant 112 : index
      %get3A_765 = tpu.vector_load %arg6[%get3A_763, %get3A_764] {strides = array<i32>} : memref<16x128xf32, #tpu.memory_space<vmem>>, vector<1x16xf32>,
      %get3A_766 = vector.shape_cast %get3A_765 : vector<1x16xf32> to vector<16xf32>
      %add3A_767 = arith.addf %add3A_761, %get3A_766 : vector<16xf32>
      %get3A_768 = arith.constant 10 : i32
      %get3A_769 = arith.index_cast %get3A_768 : i32 to index
      %get3A_770 = arith.constant 112 : index
      %get3A_771 = tpu.vector_load %arg6[%get3A_769, %get3A_770] {strides = array<i32>} : memref<16x128xf32, #tpu.memory_space<vmem>>, vector<1x16xf32>,
      %get3A_772 = vector.shape_cast %get3A_771 : vector<1x16xf32> to vector<16xf32>
      %add3A_773 = arith.addf %add3A_767, %get3A_772 : vector<16xf32>
      %get3A_774 = arith.constant 11 : i32
      %get3A_775 = arith.index_cast %get3A_774 : i32 to index
      %get3A_776 = arith.constant 112 : index
      %get3A_777 = tpu.vector_load %arg6[%get3A_775, %get3A_776] {strides = array<i32>} : memref<16x128xf32, #tpu.memory_space<vmem>>, vector<1x16xf32>,
      %get3A_778 = vector.shape_cast %get3A_777 : vector<1x16xf32> to vector<16xf32>
      %add3A_779 = arith.addf %add3A_773, %get3A_778 : vector<16xf32>
      %get3A_780 = arith.constant 12 : i32
      %get3A_781 = arith.index_cast %get3A_780 : i32 to index
      %get3A_782 = arith.constant 112 : index
      %get3A_783 = tpu.vector_load %arg6[%get3A_781, %get3A_782] {strides = array<i32>} : memref<16x128xf32, #tpu.memory_space<vmem>>, vector<1x16xf32>,
      %get3A_784 = vector.shape_cast %get3A_783 : vector<1x16xf32> to vector<16xf32>
      %add3A_785 = arith.addf %add3A_779, %get3A_784 : vector<16xf32>
      %get3A_786 = arith.constant 13 : i32
      %get3A_787 = arith.index_cast %get3A_786 : i32 to index
      %get3A_788 = arith.constant 112 : index
      %get3A_789 = tpu.vector_load %arg6[%get3A_787, %get3A_788] {strides = array<i32>} : memref<16x128xf32, #tpu.memory_space<vmem>>, vector<1x16xf32>,
      %get3A_790 = vector.shape_cast %get3A_789 : vector<1x16xf32> to vector<16xf32>
      %add3A_791 = arith.addf %add3A_785, %get3A_790 : vector<16xf32>
      %get3A_792 = arith.constant 14 : i32
      %get3A_793 = arith.index_cast %get3A_792 : i32 to index
      %get3A_794 = arith.constant 112 : index
      %get3A_795 = tpu.vector_load %arg6[%get3A_793, %get3A_794] {strides = array<i32>} : memref<16x128xf32, #tpu.memory_space<vmem>>, vector<1x16xf32>,
      %get3A_796 = vector.shape_cast %get3A_795 : vector<1x16xf32> to vector<16xf32>
      %add3A_797 = arith.addf %add3A_791, %get3A_796 : vector<16xf32>
      %get3A_798 = arith.constant 15 : i32
      %get3A_799 = arith.index_cast %get3A_798 : i32 to index
      %get3A_800 = arith.constant 112 : index
      %get3A_801 = tpu.vector_load %arg6[%get3A_799, %get3A_800] {strides = array<i32>} : memref<16x128xf32, #tpu.memory_space<vmem>>, vector<1x16xf32>,
      %get3A_802 = vector.shape_cast %get3A_801 : vector<1x16xf32> to vector<16xf32>
      %add3A_803 = arith.addf %add3A_797, %get3A_802 : vector<16xf32>
      %swap3A_804 = arith.constant 112 : index
      %swap3A_805 = tpu.vector_load %arg7[%swap3A_804] {strides = array<i32>} : memref<128xf32, #tpu.memory_space<vmem>>, vector<16xf32>,
      %swap3A_806 = vector.shape_cast %swap3A_805 : vector<16xf32> to vector<16xf32>
      %swap3A_807 = vector.shape_cast %add3A_803 : vector<16xf32> to vector<16xf32>
      tpu.vector_store %arg7[%swap3A_804], %swap3A_807 {strides = array<i32>} : memref<128xf32, #tpu.memory_space<vmem>>, vector<16xf32>,
      "tpu.region"() ({
        %run_scoped3A = tpu.sem_alloc : memref<!tpu.dma_semaphore, #tpu.memory_space<semaphore_mem>>
        %dma_start3A_808 = arith.constant 0 : i32
        %dma_start3A_809 = tpu.memref_slice %arg4[%add3A, %dma_start3A_808] : memref<16x128xf32, #tpu.memory_space<hbm>> -> memref<1x128xf32, #tpu.memory_space<hbm>>
        %dma_start3A_810 = tpu.memref_squeeze %dma_start3A_809 : memref<1x128xf32, #tpu.memory_space<hbm>> -> memref<128xf32, #tpu.memory_space<hbm>>
        %dma_start3A_811 = arith.constant 0 : i32
        %dma_start3A_812 = tpu.memref_slice %arg4[%add3A, %dma_start3A_811] : memref<16x128xf32, #tpu.memory_space<hbm>> -> memref<1x128xf32, #tpu.memory_space<hbm>>
        %dma_start3A_813 = tpu.memref_squeeze %dma_start3A_812 : memref<1x128xf32, #tpu.memory_space<hbm>> -> memref<128xf32, #tpu.memory_space<hbm>>
        tpu.enqueue_dma source(%arg7 : memref<128xf32, #tpu.memory_space<vmem>>) target(%dma_start3A_813 : memref<128xf32, #tpu.memory_space<hbm>>) target_semaphore(%run_scoped3A : memref<!tpu.dma_semaphore, #tpu.memory_space<semaphore_mem>>)
        %dma_wait3A_814 = arith.constant 0 : i32
        %dma_wait3A_815 = tpu.memref_slice %arg4[%add3A, %dma_wait3A_814] : memref<16x128xf32, #tpu.memory_space<hbm>> -> memref<1x128xf32, #tpu.memory_space<hbm>>
        %dma_wait3A_816 = tpu.memref_squeeze %dma_wait3A_815 : memref<1x128xf32, #tpu.memory_space<hbm>> -> memref<128xf32, #tpu.memory_space<hbm>>
        %dma_wait3A_817 = arith.constant 0 : i32
        %dma_wait3A_818 = tpu.memref_slice %arg4[%add3A, %dma_wait3A_817] : memref<16x128xf32, #tpu.memory_space<hbm>> -> memref<1x128xf32, #tpu.memory_space<hbm>>
        %dma_wait3A_819 = tpu.memref_squeeze %dma_wait3A_818 : memref<1x128xf32, #tpu.memory_space<hbm>> -> memref<128xf32, #tpu.memory_space<hbm>>
        tpu.wait_dma2 semaphore(%run_scoped3A : memref<!tpu.dma_semaphore, #tpu.memory_space<semaphore_mem>>) src(%arg7 : memref<128xf32, #tpu.memory_space<vmem>>) dst(%dma_wait3A_819 : memref<128xf32, #tpu.memory_space<hbm>>)
        tpu.yield
      }) : () -> ()
    } else {
    }
    return
  }
}

module attributes {stable_mosaic.version = 14 : i64} {
  func.func @_add_kernel(%arg0: i32, %arg1: memref<16x128xf32, #tpu.memory_space<vmem>>, %arg2: memref<1x128x16000xf32, #tpu.memory_space<vmem>>, %arg3: memref<1x128x16000xf32, #tpu.memory_space<vmem>>) attributes {dimension_semantics = [#tpu.dimension_semantics<arbitrary>], iteration_bounds = array<i64: 16>, scalar_prefetch = 0 : i64, scratch_operands = 0 : i64, tpu.core_type = #tpu.core_type<tc>, window_params = [{pipeline_mode = #tpu.pipeline_mode<synchronous>, transform_indices = @transform_0, window_bounds = array<i64: 16, 128>}, {transform_indices = @transform_1, window_bounds = array<i64: 1, 128, 16000>}, {transform_indices = @transform_2, window_bounds = array<i64: 1, 128, 16000>}]} {
    %get3A = arith.constant 0 : index
    %get3A_0 = arith.constant 0 : index
    %get3A_1 = arith.constant 0 : index
    %get3A_2 = vector.load %arg2[%get3A, %get3A_0, %get3A_1] : memref<1x128x16000xf32, #tpu.memory_space<vmem>>, vector<1x128x16000xf32>
    %get3A_3 = vector.shape_cast %get3A_2 : vector<1x128x16000xf32> to vector<128x16000xf32>
    %get3A_4 = arith.index_cast %arg0 : i32 to index
    %get3A_5 = arith.constant 0 : index
    %get3A_6 = vector.load %arg1[%get3A_4, %get3A_5] : memref<16x128xf32, #tpu.memory_space<vmem>>, vector<1x128xf32>
    %get3A_7 = vector.shape_cast %get3A_6 : vector<1x128xf32> to vector<128xf32>
    %broadcast_in_dim3A = vector.shape_cast %get3A_7 : vector<128xf32> to vector<128x1xf32>
    %add3A = vector.broadcast %broadcast_in_dim3A : vector<128x1xf32> to vector<128x16000xf32>
    %add3A_8 = arith.addf %get3A_3, %add3A : vector<128x16000xf32>
    %swap3A = arith.constant 0 : index
    %swap3A_9 = arith.constant 0 : index
    %swap3A_10 = arith.constant 0 : index
    %swap3A_11 = vector.load %arg3[%swap3A, %swap3A_9, %swap3A_10] : memref<1x128x16000xf32, #tpu.memory_space<vmem>>, vector<1x128x16000xf32>
    %swap3A_12 = vector.shape_cast %swap3A_11 : vector<1x128x16000xf32> to vector<128x16000xf32>
    %swap3A_13 = vector.shape_cast %add3A_8 : vector<128x16000xf32> to vector<1x128x16000xf32>
    tpu.vector_store %arg3[%swap3A, %swap3A_9, %swap3A_10], %swap3A_13 {strides = array<i32>} : memref<1x128x16000xf32, #tpu.memory_space<vmem>>, vector<1x128x16000xf32>,
    return
  }
  func.func @transform_0(%arg0: i32) -> (i32, i32) {
    %c0_i32 = arith.constant 0 : i32
    %c0_i32_0 = arith.constant 0 : i32
    %c0_i32_1 = arith.constant 0 : i32
    return %c0_i32, %c0_i32_0 : i32, i32
  }
  func.func @transform_1(%arg0: i32) -> (i32, i32, i32) {
    %c0_i32 = arith.constant 0 : i32
    %c0_i32_0 = arith.constant 0 : i32
    %c0_i32_1 = arith.constant 0 : i32
    return %arg0, %c0_i32, %c0_i32_0 : i32, i32, i32
  }
  func.func @transform_2(%arg0: i32) -> (i32, i32, i32) {
    %c0_i32 = arith.constant 0 : i32
    %c0_i32_0 = arith.constant 0 : i32
    %c0_i32_1 = arith.constant 0 : i32
    return %arg0, %c0_i32, %c0_i32_0 : i32, i32, i32
  }
}

</mosaic_0001>

<sc_bundles>
// kernel: kernel.4.cloned.1.call-start
scs
__scs_entry_jumppad:
0x0: {  	(pc) =	sbr.rel $0x88, $3  }
0x1: {  	(tag) =	ssettag $0x0;
	lr =	simm.s32 $0x1  }
0x2: {  	[smem:$0x3F9E] =	sst lr;
	_ =	strace $0xD0000000  }
0x3: {  	_ = 	snop  }
0x4: {  	_ = 	snop  }
0x5: {  	_ = 	snop  }
0x6: {  	_ = 	snop  }
0x7: {  	_ = 	snop  }
__scs_overlays_trampoline_lowered:
0x8: {  	[smem:$0x3FAD] =	sst s0  }
0x9: {  	[smem:$0x3FAE] =	sst s1  }
0xa: {  	[smem:$0x3FAF] =	sst s2  }
0xb: {  	[smem:$0x3FB0] =	sst s3  }
0xc: {  	[smem:$0x3FB1] =	sst s4  }
0xd: {  	[smem:$0x3FB2] =	sst s5  }
0xe: {  	[smem:$0x3FB3] =	sst s6  }
0xf: {  	[smem:$0x3FB4] =	sst s7  }
0x10: {  	[smem:$0x3FB5] =	sst s8  }
0x11: {  	[smem:$0x3FB6] =	sst s9;
	s0 =	simm.s32 @!p0 $0x0  }
0x12: {  	s1 =	sld [smem:$0x3F9C];
	s0 =	simm.s32 @p0 $0x1  }
0x13: {  	[smem:$0x3FB7] =	sst s0;
	s0 =	simm.s32 @!p1 $0x0  }
0x14: {  	s2 =	sld [smem:$0x3F9B];
	s0 =	simm.s32 @p1 $0x1  }
0x15: {  	[smem:$0x3FB8] =	sst s0;
	s0 =	simm.s32 @!p2 $0x0  }
0x16: {  	s3 =	sld [smem:$0x3FDB];
	s0 =	simm.s32 @p2 $0x1  }
0x17: {  	s4 =	simm.s32 $0x1BF5;
	[smem:$0x3FBA] =	sst s0  }
0x18: {  	s0 =	sld [smem:$0x3F9D];
	_ =	swait.ge [sflag:s4], $0x0  }
0x19: {  	s7 =	sld [smem:$0x3F9E]  }
0x1a: {  	s8 =	sadd.s32 $0xFFFFE003, lr  }
0x1b: {  	s9 =	sadd.s32 $0xFFFFFEF7, lr;
	s5 =	simm.s32 $0xFFFFFFFF;
	p2 =	slt.u32 s8, $0xFFFFF086  }
0x1c: {  	p1 =	slt.u32 s9, $0xF7A;
	s5 =	simm.s32 @!p2 $0x0  }
0x1d: {  	s5 =	simm.s32 @p1 $0x1;
	p0 =	seq.s32 s7, s2  }
0x1e: {  	s7 =	smul.u32 @!p0 $0xF7A, s2;
	p2 =	seq.s32 @!p0 s5, $0x0  }
0x1f: {  	s9 =	smul.u32 $0xF7A, s1;
	s8 =	simm.s32 @!p0 $0x1BF5;
	p2 =	por !p2, p0  }
0x20: {  	[sflag:s8] =	ssyncset.s32 @!p0 $0xFFFFF086;
	s6 =	sadd.s32 @!p0 s3, s7;
	s7 =	simm.s32 @!p0 $0x108  }
0x21: {  	s3 =	sadd.s32 s3, s9;
	s6 =	sadd.s32 @!p0 $0x88, s6;
	s7 =	simm.s32 @p2 $0x1082  }
0x22: {  	[simem:s7], [sflag:s8] =	dma.local @!p0 [hbm:s6], $0xF7A  }
0x23: {  	s9 =	sor.u32 $0xD0000000, s2;
	s6 =	simm.s32 $0x108;
	_ =	swait.ge @!p0 [sflag:s8], $0x0  }
0x24: {  	s3 =	sadd.s32 $0x88, s3;
	s6 =	simm.s32 @!p1 $0x1082;
	[sflag:s4] =	ssyncset.s32 $0xFFFFF086  }
0x25: {  	[simem:s6], [sflag:s4] =	dma.local [hbm:s3], $0xF7A  }
0x26: {  	[smem:$0x3F9E] =	sst s1;
	(tag) =	ssettag s2;
	_ =	strace s9  }
0x27: {  	s1 =	sld [smem:$0x3FAE]  }
0x28: {  	s2 =	sld [smem:$0x3FAF]  }
0x29: {  	s4 =	sld [smem:$0x3FB1]  }
0x2a: {  	p0 =	seq.s32 s5, $0x0;
	s5 =	sld [smem:$0x3FB2]  }
0x2b: {  	s6 =	sld [smem:$0x3FB3]  }
0x2c: {  	s7 =	sld [smem:$0x3FB4]  }
0x2d: {  	s3 =	simm.s32 $0x108;
	s8 =	sld [smem:$0x3FB5]  }
0x2e: {  	s3 =	simm.s32 @!p0 $0x1082;
	s9 =	sld [smem:$0x3FB6]  }
0x2f: {  	lr =	sadd.s32 s0, s3;
	s0 =	sld [smem:$0x3FAD]  }
0x30: {  	s3 =	sld [smem:$0x3FB0]  }
0x31: {  	[smem:$0x3FB9] =	sst s10  }
0x32: {  	s10 =	sld [smem:$0x3FB7];
	_ =	sdelay $0x3  }
0x33: {  	p0 =	seq.s32 s10, $0x1;
	s10 =	sld [smem:$0x3FB9];
	_ =	sdelay $0x3  }
0x34: {  	[smem:$0x3FB9] =	sst s10  }
0x35: {  	s10 =	sld [smem:$0x3FB8];
	_ =	sdelay $0x3  }
0x36: {  	p1 =	seq.s32 s10, $0x1;
	s10 =	sld [smem:$0x3FB9];
	_ =	sdelay $0x3  }
0x37: {  	[smem:$0x3FB9] =	sst s10  }
0x38: {  	s10 =	sld [smem:$0x3FBA]  }
0x39: {  	_ = 	snop;
	(pc) =	sbr.ind lr, $3  }
0x3a: {  	_ = 	snop  }
0x3b: {  	_ = 	snop  }
0x3c: {  	p2 =	seq.s32 s10, $0x1;
	s10 =	sld [smem:$0x3FB9]  }
0x3d: {  	_ =	shalt  }
0x3e: {  	_ =	shalt  }
0x3f: {  	_ =	shalt  }
0x40: {  	_ =	shalt  }
0x41: {  	_ =	shalt  }
0x42: {  	_ =	shalt  }
0x43: {  	_ =	shalt  }
0x44: {  	_ =	shalt  }
0x45: {  	_ =	shalt  }
0x46: {  	_ =	shalt  }
0x47: {  	_ =	shalt  }
0x48: {  	_ =	shalt  }
0x49: {  	_ =	shalt  }
0x4a: {  	_ =	shalt  }
0x4b: {  	_ =	shalt  }
0x4c: {  	_ =	shalt  }
0x4d: {  	_ =	shalt  }
0x4e: {  	_ =	shalt  }
0x4f: {  	_ =	shalt  }
0x50: {  	_ =	shalt  }
0x51: {  	_ =	shalt  }
0x52: {  	_ =	shalt  }
0x53: {  	_ =	shalt  }
0x54: {  	_ =	shalt  }
0x55: {  	_ =	shalt  }
0x56: {  	_ =	shalt  }
0x57: {  	_ =	shalt  }
0x58: {  	_ =	shalt  }
0x59: {  	_ =	shalt  }
0x5a: {  	_ =	shalt  }
0x5b: {  	_ =	shalt  }
0x5c: {  	_ =	shalt  }
0x5d: {  	_ =	shalt  }
0x5e: {  	_ =	shalt  }
0x5f: {  	_ =	shalt  }
0x60: {  	_ =	shalt  }
0x61: {  	_ =	shalt  }
0x62: {  	_ =	shalt  }
0x63: {  	_ =	shalt  }
0x64: {  	_ =	shalt  }
0x65: {  	_ =	shalt  }
0x66: {  	_ =	shalt  }
0x67: {  	_ =	shalt  }
0x68: {  	_ =	shalt  }
0x69: {  	_ =	shalt  }
0x6a: {  	_ =	shalt  }
0x6b: {  	_ =	shalt  }
0x6c: {  	_ =	shalt  }
0x6d: {  	_ =	shalt  }
0x6e: {  	_ =	shalt  }
0x6f: {  	_ =	shalt  }
0x70: {  	_ =	shalt  }
0x71: {  	_ =	shalt  }
0x72: {  	_ =	shalt  }
0x73: {  	_ =	shalt  }
0x74: {  	_ =	shalt  }
0x75: {  	_ =	shalt  }
0x76: {  	_ =	shalt  }
0x77: {  	_ =	shalt  }
0x78: {  	_ =	shalt  }
0x79: {  	_ =	shalt  }
0x7a: {  	_ =	shalt  }
0x7b: {  	_ =	shalt  }
0x7c: {  	_ =	shalt  }
0x7d: {  	_ =	shalt  }
0x7e: {  	_ =	shalt  }
0x7f: {  	_ =	shalt  }
0x80: {  	_ =	shalt  }
0x81: {  	_ =	shalt  }
0x82: {  	_ =	shalt  }
0x83: {  	_ =	shalt  }
0x84: {  	_ =	shalt  }
0x85: {  	_ =	shalt  }
0x86: {  	_ =	shalt  }
0x87: {  	_ =	shalt  }
.Lfunc_end0:
.L_simem_size_0:
called_computation_lowered:
.L_overlay_start_0:
0x88: {  	s2 =	sld [smem:$0x3FD9]  }
0x89: {  	s3 =	sld [smem:$0x3FFE];
	_ =	sdelay $0x1  }
0x8a: {  	s1 =	srdreg.scid  }
0x8b: {  	s0 =	sand.u32 $0x1, s1  }
0x8c: {  	s18 =	sshll.u32 s0, $0xA;
	s2 =	sadd.s32 s3, s2  }
0x8d: {  	s2 =	sadd.s32 s2, s18  }
0x8e: {  	[smem:$0x3FC5] =	sst s2  }
0x8f: {  	_ = 	snop  }
0x90: {  	s2 =	sld [smem:$0x3FC8]  }
0x91: {  	s19 =	sld [smem:$0x3FC7]  }
0x92: {  	s4 =	sld [smem:$0x3FD0];
	(tm) =	ssettm $0x1  }
0x93: {  	s5 =	sld [smem:$0x3FFB];
	_ =	sdelay $0x3  }
0x94: {  	_ =	strace s5  }
0x95: {  	s5 =	sld [smem:$0x3FFC];
	_ =	sdelay $0x3  }
0x96: {  	_ =	strace s5  }
0x97: {  	s5 =	sld [smem:$0x3FFD];
	_ =	sdelay $0x3  }
0x98: {  	_ =	strace s5  }
0x99: {  	_ =	strace $0x8FFFFFFF  }
0x9a: {  	s20 =	sld [smem:$0x3FDB];
	_ =	sdelay $0x1  }
0x9b: {  	s6 =	simm.s32 $_scs_section_size  }
0x9c: {  	s7 =	simm.s32 $_size__tile_overlayer_lowered;
	s8 =	simm.s32 $_tile_overlayer_lowered  }
0x9d: {  	s23 =	simm.s32 $0x1BFF;
	s22 =	sshll.u32 s8, $0x1;
	s5 =	sadd.s32 s6, s20  }
0x9e: {  	s9 =	simm.s32 $0x0;
	s21 =	sshll.u32 s7, $0x1;
	s7 =	sadd.s32 s22, s5  }
0x9f: {  	[timem:s9], [sflag:s23] =	dma.local [hbm:s7], s21  }
0xa0: {  	_ =	swait.ge [sflag:s23], s21  }
0xa1: {  	s6 =	ssub.s32 $0x0, s21;
	[sflag:s23] =	ssyncset.done $0x0  }
0xa2: {  	[sflag:s23] =	ssyncadd.s32 s6;
	_ =	sdelay $0x1  }
0xa3: {  	s24 =	simm.s32 $0x1B8B  }
0xa4: {  	_ =	swait.ge [sflag:s24], $0x1  }
0xa5: {  	[sflag:s24] =	ssyncset.done $0x0  }
0xa6: {  	s25 =	simm.s32 $0x1B8E;
	[sflag:s24] =	ssyncadd.s32 $0xFFFFFFFF  }
0xa7: {  	s26 =	simm.s32 $execute0_lowered;
	[smem:$0x3FD2] =	sst s25  }
0xa8: {  	s6 =	sshll.u32 s26, $0x1;
	_ =	strace $0x80000046;
	[dreg:$0x1] =	wrdreg $0xFFFFFFFF  }
0xa9: {  	s28 =	simm.s32 $_size_execute0_lowered;
	s5 =	sadd.s32 s5, s6;
	[dreg:$0x0] =	wrdreg $0x0  }
0xaa: {  	s6 =	sshll.u32 s28, $0x1;
	[dreg:$0x2] =	wrdreg s5  }
0xab: {  	[dreg:$0x3] =	wrdreg s6  }
0xac: {  	[dreg:$0x4] =	wrdreg $0xC0  }
0xad: {  	_ =	task [dreg:s9], $0x5FFFF  }
0xae: {  	[dreg:$0x1] =	wrdreg $0xFFFFFFFF  }
0xaf: {  	[dreg:$0x0] =	wrdreg $0x60  }
0xb0: {  	[dreg:$0x2] =	wrdreg s2  }
0xb1: {  	[dreg:$0x3] =	wrdreg s19  }
0xb2: {  	[dreg:$0x4] =	wrdreg s4  }
0xb3: {  	[dreg:$0x5] =	wrdreg $0x9  }
0xb4: {  	_ =	task.clear_ibuf [dreg:s9], $0x6FFFF;
	_ =	strace $0x90000046  }
0xb5: {  	s29 =	simm.s32 $0x9;
	_ =	strace $0x80000048  }
0xb6: {  	_ =	swait.ge [sflag:s29], $0x1  }
0xb7: {  	[sflag:s29] =	ssyncadd.s32 $0xFFFFFFFF  }
0xb8: {  	_ =	strace $0x90000048  }
0xb9: {  	_ =	sfence  }
0xba: {  	s30 =	sld [smem:$0x0];
	_ =	sdelay $0x2  }
0xbb: {  	s31 =	sshll.u32 s1, $0xD;
	s1 =	sshrl.u32 s1, $0x2  }
0xbc: {  	s3 =	sand.u32 $0x4000, s31;
	s1 =	sadd.s32 s1, s30  }
0xbd: {  	s0 =	sor.u32 s3, s0;
	s1 =	sshll.u32 s1, $0x11  }
0xbe: {  	s0 =	sor.u32 s1, s0  }
0xbf: {  	s0 =	sadd.s32 $0x8F2B, s0  }
0xc0: {  	[sflag:s0] =	ssyncadd.remote.s32 $0x1  }
0xc1: {  	_ =	sfence.sel $0xFFFF  }
0xc2: {  	[dreg:$0x0] =	wrdreg $0xFFFFFFFF;
	(pc) =	sbr.abs _section_cstart, $3  }
0xc3: {  	[dreg:$0x1] =	wrdreg $0xFFFFFFFF  }
0xc4: {  	_ =	task.clear_ibuf [dreg:s9], $0x2FFFF;
	_ =	strace $0x9FFFFFFF  }
0xc5: {  	(tm) =	ssettm $0x7FFFFFFF  }
tec
execute0_lowered:
.L_overlay_start_1:
0x0: {  	(tag) =	ssettag $0x1  }
0x1: {  	s1 =	stileid.u32  }
0x2: {  	p0 =	sgt.u32 s1, $0x7  }
.Ltmp0:
0x3: {  	s5 =	rddreg [dreg:$0x0];
	(pc) =	sbr.rel @p0 .LBB2_3-.Ltmp0, $4  }
0x4: {  	s2 =	rddreg [dreg:$0x1]  }
0x5: {  	s4 =	rddreg [dreg:$0x2];
	s3 =	simm.s32 $0x0  }
0x6: {  	[smem:$0x7FF] =	sst s3  }
0x7: {  	s0 =	rddreg [dreg:$0x3];
	_ =	strace $0x80000047  }
0x8: {  	s6 =	srdreg.scid  }
0x9: {  	s7 =	sshll.u32 s1, $0x5;
	s9 =	simm.s32 $0x80;
	s6 =	sand.u32 $0x1, s6  }
0xa: {  	v0 =	vlaneseq.u32;
	s10 =	simm.s32 $0x1;
	s8 =	sshll.u32 s6, $0x4;
	s6 =	ssub.s32 $0x2, s6  }
0xb: {  	s11 =	simm.s32 $0x880;
	v0 =	vmul.u32 $0x2, v0;
	s7 =	sor.u32 s8, s7;
	s31 =	sshrl.u32 s6, $0x1  }
0xc: {  	s8 =	simm.s32 $0x10;
	s4 =	sadd.s32 s4, s7;
	s6 =	ssub.s32 s6, s31  }
0xd: {  	[tilespmem:$0x1FFF0] =	vst v0;
	s5 =	sadd.s32 s5, s7;
	s7 =	simm.s32 $0x2;
	s6 =	smax.u32 s6, $0x1  }
.LBB2_2:
0xe: {  	[tilespmem:s3], [sflag:$0x2] =	stream.linear.gather [hbm4b:s5+s3], $0x80, $0x38;
	[tilespmem:$0x900] =	vst v63  }
0xf: {  	_ =	swait.ge [sflag:s7], $0x80  }
0x10: {  	[sflag:s7] =	ssyncset.done $0x0  }
0x11: {  	v0 =	vld [tilespmem:$0x1FFF0];
	[sflag:s7] =	ssyncadd.s32 $0xFFFFFF80  }
0x12: {  	v1 =	vld [tilespmem:$0x0];
	_ =	sdelay $0x4  }
0x13: {  	v1 =	vadd.s32 v0, v1  }
0x14: {  	[tilespmem:$0x0] =	vst v1  }
0x15: {  	[tilespmem:s9], [sflag:$0x1] =	stream.indirect.gather [hbm4b:s2+s8], $0x80, s3, s8, $0xb8;
	[tilespmem:$0x900] =	vst v63  }
0x16: {  	_ =	swait.ge [sflag:s10], $0x800  }
0x17: {  	[sflag:s10] =	ssyncset.done $0x0  }
0x18: {  	[sflag:s10] =	ssyncadd.s32 $0xFFFFF800  }
0x19: {  	v1 =	vld [tilespmem:$0x80]  }
0x1a: {  	v2 =	vld [tilespmem:$0x100]  }
0x1b: {  	v3 =	vld [tilespmem:$0x180]  }
0x1c: {  	v4 =	vld [tilespmem:$0x200]  }
0x1d: {  	v10 =	vld [tilespmem:$0x280]  }
0x1e: {  	v11 =	vld [tilespmem:$0x300]  }
0x1f: {  	v12 =	vld [tilespmem:$0x380]  }
0x20: {  	v13 =	vld [tilespmem:$0x400]  }
0x21: {  	v15 =	vld [tilespmem:$0x480]  }
0x22: {  	v17 =	vld [tilespmem:$0x500]  }
0x23: {  	v19 =	vld [tilespmem:$0x580]  }
0x24: {  	v43 =	vld [tilespmem:$0x600]  }
0x25: {  	v44 =	vld [tilespmem:$0x680]  }
0x26: {  	v45 =	vld [tilespmem:$0x700]  }
0x27: {  	v46 =	vld [tilespmem:$0x780]  }
0x28: {  	v47 =	vld [tilespmem:$0x800]  }
0x29: {  	v6 =	vld [tilespmem:$0x90]  }
0x2a: {  	v8 =	vld [tilespmem:$0x110]  }
0x2b: {  	v20 =	vld [tilespmem:$0x190]  }
0x2c: {  	v21 =	vld [tilespmem:$0x210]  }
0x2d: {  	v22 =	vld [tilespmem:$0x290]  }
0x2e: {  	v23 =	vld [tilespmem:$0x310]  }
0x2f: {  	v24 =	vld [tilespmem:$0x390]  }
0x30: {  	v25 =	vld [tilespmem:$0x410]  }
0x31: {  	v26 =	vld [tilespmem:$0x490]  }
0x32: {  	v27 =	vld [tilespmem:$0x510]  }
0x33: {  	v28 =	vld [tilespmem:$0x590]  }
0x34: {  	v29 =	vld [tilespmem:$0x610]  }
0x35: {  	v30 =	vld [tilespmem:$0x690]  }
0x36: {  	v32 =	vld [tilespmem:$0x710]  }
0x37: {  	v48 =	vld [tilespmem:$0x790]  }
0x38: {  	v49 =	vld [tilespmem:$0x810]  }
0x39: {  	v9 =	vld [tilespmem:$0xA0]  }
0x3a: {  	v34 =	vld [tilespmem:$0x120]  }
0x3b: {  	v35 =	vld [tilespmem:$0x1A0]  }
0x3c: {  	v36 =	vld [tilespmem:$0x220]  }
0x3d: {  	v37 =	vld [tilespmem:$0x2A0]  }
0x3e: {  	v38 =	vld [tilespmem:$0x320]  }
0x3f: {  	v39 =	vld [tilespmem:$0x3A0]  }
0x40: {  	v40 =	vld [tilespmem:$0x420]  }
0x41: {  	v41 =	vld [tilespmem:$0x4A0]  }
0x42: {  	v42 =	vld [tilespmem:$0x520]  }
0x43: {  	v50 =	vld [tilespmem:$0x130]  }
0x44: {  	v51 =	vld [tilespmem:$0x1B0]  }
0x45: {  	v52 =	vld [tilespmem:$0x230]  }
0x46: {  	v53 =	vld [tilespmem:$0x2B0]  }
0x47: {  	v54 =	vld [tilespmem:$0x330]  }
0x48: {  	v55 =	vld [tilespmem:$0x3B0]  }
0x49: {  	v56 =	vld [tilespmem:$0x430]  }
0x4a: {  	v57 =	vld [tilespmem:$0x4B0]  }
0x4b: {  	v58 =	vld [tilespmem:$0x530]  }
0x4c: {  	v59 =	vld [tilespmem:$0x5B0]  }
0x4d: {  	v60 =	vld [tilespmem:$0x630]  }
0x4e: {  	v61 =	vld [tilespmem:$0x6B0]  }
0x4f: {  	v62 =	vld [tilespmem:$0x730]  }
0x50: {  	v63 =	vld [tilespmem:$0x7B0]  }
0x51: {  	v7 =	vld [tilespmem:$0x830]  }
0x52: {  	v5 =	vld [tilespmem:$0xC0]  }
0x53: {  	v0 =	vld [tilespmem:$0x140]  }
0x54: {  	v14 =	vld [tilespmem:$0x1C0]  }
0x55: {  	v16 =	vld [tilespmem:$0x240]  }
0x56: {  	v18 =	vld [tilespmem:$0x2C0]  }
0x57: {  	v31 =	vld [tilespmem:$0x340]  }
0x58: {  	v33 =	vld [tilespmem:$0x3C0]  }
0x59: {  	[tilespmem:$0x1FF70] =	vst v43;
	v43 =	vld [tilespmem:$0x5A0]  }
0x5a: {  	[tilespmem:$0x1FF80] =	vst v44;
	v44 =	vld [tilespmem:$0x620]  }
0x5b: {  	[tilespmem:$0x1FF90] =	vst v45;
	v45 =	vld [tilespmem:$0x6A0]  }
0x5c: {  	[tilespmem:$0x1FFA0] =	vst v46;
	v46 =	vld [tilespmem:$0x720]  }
0x5d: {  	[tilespmem:$0x1FFC0] =	vst v47;
	v47 =	vld [tilespmem:$0x7A0]  }
0x5e: {  	[tilespmem:$0x1FFB0] =	vst v48;
	v48 =	vld [tilespmem:$0x820]  }
0x5f: {  	[tilespmem:$0x1FFD0] =	vst v49;
	v49 =	vld [tilespmem:$0xB0]  }
0x60: {  	v1 =	vadd.f32 v2, v1;
	v2 =	vld [tilespmem:$0x440]  }
0x61: {  	v6 =	vadd.f32 v8, v6;
	v8 =	vld [tilespmem:$0x4C0]  }
0x62: {  	[tilespmem:$0x1FFE0] =	vst v33;
	v33 =	vld [tilespmem:$0x650]  }
0x63: {  	v1 =	vadd.f32 v3, v1;
	v3 =	vadd.f32 v34, v9;
	v9 =	vld [tilespmem:$0x540]  }
0x64: {  	v34 =	vadd.f32 v20, v6;
	v20 =	vld [tilespmem:$0x5C0]  }
0x65: {  	v6 =	vld [tilespmem:$0x640]  }
0x66: {  	v1 =	vadd.f32 v4, v1;
	v3 =	vadd.f32 v35, v3;
	v4 =	vld [tilespmem:$0x6C0]  }
0x67: {  	v21 =	vadd.f32 v21, v34;
	v34 =	vld [tilespmem:$0x150]  }
0x68: {  	v35 =	vadd.f32 v36, v3;
	v3 =	vld [tilespmem:$0x740]  }
0x69: {  	v49 =	vadd.f32 v50, v49;
	v1 =	vadd.f32 v10, v1;
	v10 =	vld [tilespmem:$0x7C0]  }
0x6a: {  	v36 =	vld [tilespmem:$0x850]  }
0x6b: {  	v21 =	vadd.f32 v22, v21;
	v50 =	vadd.f32 v51, v49;
	v49 =	vld [tilespmem:$0xF0]  }
0x6c: {  	v11 =	vadd.f32 v11, v1;
	v1 =	vld [tilespmem:$0x840]  }
0x6d: {  	v0 =	vadd.f32 v0, v5;
	v21 =	vadd.f32 v23, v21;
	v23 =	vld [tilespmem:$0xD0]  }
0x6e: {  	v51 =	vadd.f32 v52, v50;
	v52 =	vadd.f32 v37, v35;
	v35 =	vld [tilespmem:$0x750]  }
0x6f: {  	v50 =	vld [tilespmem:$0x1FFC0]  }
0x70: {  	v0 =	vadd.f32 v14, v0;
	v37 =	vld [tilespmem:$0x3E0]  }
0x71: {  	v21 =	vadd.f32 v24, v21;
	v24 =	vld [tilespmem:$0x1D0]  }
0x72: {  	v0 =	vadd.f32 v16, v0;
	v22 =	vadd.f32 v53, v51;
	v51 =	vld [tilespmem:$0x170]  }
0x73: {  	v11 =	vadd.f32 v12, v11;
	v53 =	vadd.f32 v38, v52;
	v52 =	vld [tilespmem:$0x1FFD0]  }
0x74: {  	v0 =	vadd.f32 v18, v0;
	v38 =	vld [tilespmem:$0x3F0]  }
0x75: {  	v11 =	vadd.f32 v13, v11;
	v13 =	vld [tilespmem:$0x250];
	v22 =	vadd.f32 v54, v22  }
0x76: {  	v21 =	vadd.f32 v25, v21;
	v25 =	vld [tilespmem:$0x2D0];
	v12 =	vadd.f32 v39, v53  }
0x77: {  	v53 =	vld [tilespmem:$0x1E0];
	v22 =	vadd.f32 v55, v22  }
0x78: {  	v0 =	vadd.f32 v31, v0;
	v54 =	vld [tilespmem:$0x1F0];
	v12 =	vadd.f32 v40, v12  }
0x79: {  	v39 =	vld [tilespmem:$0x460];
	v21 =	vadd.f32 v26, v21;
	v22 =	vadd.f32 v56, v22  }
0x7a: {  	v11 =	vadd.f32 v15, v11;
	v15 =	vld [tilespmem:$0x350];
	v12 =	vadd.f32 v41, v12  }
0x7b: {  	v40 =	vld [tilespmem:$0x1FFE0];
	v21 =	vadd.f32 v27, v21;
	v22 =	vadd.f32 v57, v22  }
0x7c: {  	v26 =	vld [tilespmem:$0x3D0];
	v11 =	vadd.f32 v17, v11;
	v12 =	vadd.f32 v42, v12  }
0x7d: {  	v17 =	vld [tilespmem:$0x450];
	v21 =	vadd.f32 v28, v21;
	v22 =	vadd.f32 v58, v22  }
0x7e: {  	v55 =	vadd.f32 v34, v23;
	v27 =	vld [tilespmem:$0x4D0];
	v12 =	vadd.f32 v43, v12  }
0x7f: {  	v56 =	vld [tilespmem:$0x260];
	v21 =	vadd.f32 v29, v21;
	v22 =	vadd.f32 v59, v22  }
0x80: {  	v0 =	vadd.f32 v40, v0;
	v58 =	vld [tilespmem:$0x1FF70];
	v12 =	vadd.f32 v44, v12  }
0x81: {  	v21 =	vadd.f32 v30, v21;
	v59 =	vld [tilespmem:$0x1FF80];
	v22 =	vadd.f32 v60, v22  }
0x82: {  	v0 =	vadd.f32 v2, v0;
	v12 =	vadd.f32 v45, v12;
	v45 =	vld [tilespmem:$0x160]  }
0x83: {  	v11 =	vadd.f32 v19, v11;
	v22 =	vadd.f32 v61, v22;
	v61 =	vld [tilespmem:$0xE0]  }
0x84: {  	v41 =	vld [tilespmem:$0x470];
	v21 =	vadd.f32 v32, v21;
	v0 =	vadd.f32 v8, v0  }
0x85: {  	v60 =	vld [tilespmem:$0x1FF90];
	v11 =	vadd.f32 v58, v11;
	v22 =	vadd.f32 v62, v22  }
0x86: {  	v19 =	vld [tilespmem:$0x550];
	v0 =	vadd.f32 v9, v0;
	v12 =	vadd.f32 v46, v12  }
0x87: {  	v58 =	vld [tilespmem:$0x270];
	v11 =	vadd.f32 v59, v11;
	v22 =	vadd.f32 v63, v22  }
0x88: {  	v44 =	vld [tilespmem:$0x1FFA0];
	v59 =	vadd.f32 v51, v49;
	v57 =	vadd.f32 v45, v61  }
0x89: {  	v61 =	vld [tilespmem:$0x2F0];
	v7 =	vadd.f32 v7, v22;
	v22 =	vadd.f32 v24, v55  }
0x8a: {  	v11 =	vadd.f32 v60, v11;
	v60 =	vld [tilespmem:$0x2E0];
	v5 =	vadd.f32 v54, v59  }
0x8b: {  	v63 =	vld [tilespmem:$0x370];
	v14 =	vadd.f32 v53, v57;
	v13 =	vadd.f32 v13, v22  }
0x8c: {  	v0 =	vadd.f32 v20, v0;
	v62 =	vld [tilespmem:$0x360];
	v5 =	vadd.f32 v58, v5  }
0x8d: {  	v46 =	vld [tilespmem:$0x1FFB0];
	v14 =	vadd.f32 v56, v14;
	v13 =	vadd.f32 v25, v13  }
0x8e: {  	v28 =	vld [tilespmem:$0x5D0];
	v12 =	vadd.f32 v47, v12;
	v5 =	vadd.f32 v61, v5  }
0x8f: {  	v42 =	vld [tilespmem:$0x4E0];
	v14 =	vadd.f32 v60, v14;
	v13 =	vadd.f32 v15, v13  }
0x90: {  	v29 =	vld [tilespmem:$0x6D0];
	v11 =	vadd.f32 v44, v11;
	v5 =	vadd.f32 v63, v5  }
0x91: {  	v44 =	vld [tilespmem:$0x4F0];
	v14 =	vadd.f32 v62, v14;
	v13 =	vadd.f32 v26, v13  }
0x92: {  	v30 =	vld [tilespmem:$0x7D0];
	v21 =	vadd.f32 v46, v21;
	v5 =	vadd.f32 v38, v5  }
0x93: {  	v46 =	vld [tilespmem:$0x570];
	v43 =	vadd.f32 v37, v14;
	v13 =	vadd.f32 v17, v13  }
0x94: {  	v12 =	vadd.f32 v48, v12;
	v45 =	vld [tilespmem:$0x560];
	v5 =	vadd.f32 v41, v5  }
0x95: {  	v48 =	vld [tilespmem:$0x5F0];
	v2 =	vadd.f32 v39, v43;
	v13 =	vadd.f32 v27, v13  }
0x96: {  	v47 =	vld [tilespmem:$0x5E0];
	v11 =	vadd.f32 v50, v11;
	v5 =	vadd.f32 v44, v5  }
0x97: {  	v50 =	vld [tilespmem:$0x670];
	v2 =	vadd.f32 v42, v2;
	v13 =	vadd.f32 v19, v13  }
0x98: {  	v49 =	vld [tilespmem:$0x660];
	v21 =	vadd.f32 v52, v21;
	v5 =	vadd.f32 v46, v5  }
0x99: {  	v52 =	vld [tilespmem:$0x6F0];
	v2 =	vadd.f32 v45, v2;
	v13 =	vadd.f32 v28, v13  }
0x9a: {  	v51 =	vld [tilespmem:$0x6E0];
	v0 =	vadd.f32 v6, v0;
	v5 =	vadd.f32 v48, v5  }
0x9b: {  	v54 =	vld [tilespmem:$0x770];
	v2 =	vadd.f32 v47, v2;
	v13 =	vadd.f32 v33, v13  }
0x9c: {  	v0 =	vadd.f32 v4, v0;
	v53 =	vld [tilespmem:$0x760];
	v5 =	vadd.f32 v50, v5  }
0x9d: {  	v56 =	vld [tilespmem:$0x7F0];
	v2 =	vadd.f32 v49, v2;
	v13 =	vadd.f32 v29, v13  }
0x9e: {  	v55 =	vld [tilespmem:$0x7E0];
	v0 =	vadd.f32 v3, v0;
	v5 =	vadd.f32 v52, v5  }
0x9f: {  	v59 =	vld [tilespmem:$0x870];
	v2 =	vadd.f32 v51, v2;
	v57 =	vadd.f32 v35, v13  }
0xa0: {  	v58 =	vld [tilespmem:$0x860];
	[tilespmem:$0x8A0] =	vst v12;
	v0 =	vadd.f32 v10, v0;
	v4 =	vadd.f32 v54, v5  }
0xa1: {  	[tilespmem:$0x8B0] =	vst v7;
	v2 =	vadd.f32 v53, v2;
	v8 =	vadd.f32 v30, v57  }
0xa2: {  	[tilespmem:$0x880] =	vst v11;
	v0 =	vadd.f32 v1, v0;
	v3 =	vadd.f32 v56, v4  }
0xa3: {  	[tilespmem:$0x890] =	vst v21;
	v60 =	vadd.f32 v55, v2;
	v61 =	vadd.f32 v36, v8  }
0xa4: {  	[tilespmem:$0x8C0] =	vst v0;
	v63 =	vadd.f32 v59, v3  }
0xa5: {  	v62 =	vadd.f32 v58, v60;
	[tilespmem:$0x8D0] =	vst v61  }
0xa6: {  	p0 =	sne.s32 s6, $0x1;
	[tilespmem:$0x8F0] =	vst v63  }
.Ltmp1:
0xa7: {  	[tilespmem:$0x8E0] =	vst v62;
	(pc) =	sbr.rel @p0 .LBB2_2-.Ltmp1, $4  }
0xa8: {  	[hbm4b:s4+s3] =	stream.linear.scatter [tilespmem:s11], [sflag:$0x2], $0x80, $0x38;
	[tilespmem:$0x900] =	vst v63  }
0xa9: {  	_ =	swait.ge [sflag:s7], $0x80  }
0xaa: {  	[sflag:s7] =	ssyncset.done $0x0  }
0xab: {  	s6 =	sadd.s32 $0xFFFFFFFF, s6;
	[sflag:s7] =	ssyncadd.s32 $0xFFFFFF80  }
.LBB2_3:
0xac: {  	_ =	sfence.sel $0x180000  }
0xad: {  	[bflag:$0x0] =	sbarrier.arrive $0xFFFF  }
0xae: {  	p0 =	sne.s32 s1, $0x0;
	_ =	strace $0x90000047  }
0xaf: {  	s0 =	sadd.s32 @!p0 $0x100000, s0;
	[bflag:$0x2] =	sbarrier.arrive $0xFFFF  }
0xb0: {  	[sflag:s0] =	ssyncadd.tile.s32 @!p0 $0x1;
	_ =	shalt  }
.Lfunc_end2:
_tile_overlayer_lowered:
.L_overlay_start_2:
0xb1: {  	(tag) =	ssettag $0x2  }
0xb2: {  	s0 =	rddreg [dreg:$0x0];
	s2 =	stileid.u32  }
0xb3: {  	s1 =	rddreg [dreg:$0x1];
	p0 =	sne.s32 s2, $0x0  }
0xb4: {  	s3 =	rddreg [dreg:$0x2];
	[bflag:$0x3] =	sbarrier.arrive $0xFFFF;
	s2 =	simm.s32 @!p0 $0x1C02  }
0xb5: {  	[timem:s3], [sflag:s2] =	dma.local @!p0 [hbm:s0], s1  }
0xb6: {  	s0 =	simm.s32 @!p0 $0x2  }
0xb7: {  	_ =	swait.ge @!p0 [sflag:s0], s1  }
0xb8: {  	s1 =	ssub.s32 @!p0 $0x0, s1;
	[sflag:s0] =	ssyncset.done @!p0 $0x0  }
0xb9: {  	[sflag:s0] =	ssyncadd.s32 @!p0 s1  }
0xba: {  	[bflag:$0x3] =	sbarrier.arrive $0xFFFF  }
0xbb: {  	_ =	shalt  }

</sc_bundles>
